<compile_context>
chip_gen: v7x
topology: tpu7x:2x2x1
jax: 0.10.2.dev20260603
libtpu: 0.0.44.dev20260713+nightly
codegen_flags: <defaults>
</compile_context>

<pallas_src>
import functools

import jax
import jax.numpy as jnp
from jax import lax
from jax.experimental import pallas as pl
from jax.experimental.pallas import tpu as pltpu
from jax.experimental.pallas import tpu_sc as plsc

_FEAT_STRIDE = 16
_B = 64
_L = 1024
_FW = 8192
_NC, _NS = 2, 16
_NW = _NC * _NS
_RPW = _B // _NW
_LANES = 16
_CHUNKS = _L // _LANES
_INIT_CHUNKS = _FW // _LANES


def _sc_body(slp_hbm, cls_hbm, delta_hbm, mask_hbm, w_hbm, cnt_hbm,
             in_vs, cls_vs, delta_vs, mask_vs, w_vs, cnt_v, in_sems, out_sem):
    wid = lax.axis_index("s") * _NC + lax.axis_index("c")
    iota = lax.iota(jnp.int32, _LANES)

    ones = jnp.ones((_LANES,), jnp.float32)
    zeros = jnp.zeros((_LANES,), jnp.float32)
    cls_neg = jnp.full((_LANES,), 0.1, jnp.float32)
    cls_pos = jnp.full((_LANES,), 0.9, jnp.float32)
    w_pos = jnp.full((_LANES,), 2.0, jnp.float32)

    in_copies = [
        pltpu.async_copy(slp_hbm.at[wid * _RPW + r], in_vs[r], in_sems[r])
        for r in range(_RPW)
    ]

    total = zeros
    out_handles = []
    for r in range(_RPW):
        row = wid * _RPW + r
        in_v = in_vs[r]
        cls_v, delta_v, mask_v, w_v = cls_vs[r], delta_vs[r], mask_vs[r], w_vs[r]

        @plsc.parallel_loop(0, _INIT_CHUNKS, unroll=8)
        def _init(k):
            o = k * _LANES
            cls_v[pl.ds(o, _LANES)] = cls_neg
            mask_v[pl.ds(o, _LANES)] = zeros
            w_v[pl.ds(o, _LANES)] = ones
            d = -((o + iota).astype(jnp.float32) + 0.5)
            rr = 2 * lax.shift_right_logical(o, 7)
            col = lax.bitwise_and(o, 127)
            delta_v[rr, pl.ds(col, _LANES)] = d
            delta_v[rr + 1, pl.ds(col, _LANES)] = d

        in_copies[r].wait()

        @plsc.parallel_loop(0, _CHUNKS, unroll=2, carry=total)
        def _scatter(k, acc):
            e = k * _LANES + iota
            i2 = 2 * e
            x1 = plsc.load_gather(in_v, [i2])
            x2 = plsc.load_gather(in_v, [i2 + 1])
            ip = 2 * jnp.maximum(e - 1, 0)
            p1 = plsc.load_gather(in_v, [ip])
            p2 = plsc.load_gather(in_v, [ip + 1])
            xin = lax.shift_right_logical((x1 + x2).astype(jnp.int32), 5)
            pxin = lax.shift_right_logical((p1 + p2).astype(jnp.int32), 5)
            valid = (xin != pxin) | (e == 0)
            plsc.store_scatter(mask_v, [xin], ones, mask=valid)
            plsc.store_scatter(cls_v, [xin], cls_pos, mask=valid)
            plsc.store_scatter(w_v, [xin], w_pos, mask=valid)
            c = xin.astype(jnp.float32) + 0.5
            dr = 2 * lax.shift_right_logical(xin, 7)
            dc = lax.bitwise_and(xin, 127)
            plsc.store_scatter(delta_v, [dr, dc], x1 * (1.0 / 16.0) - c,
                               mask=valid)
            plsc.store_scatter(delta_v, [dr + 1, dc], x2 * (1.0 / 16.0) - c,
                               mask=valid)
            return acc + jnp.where(valid, 1.0, 0.0)
        total = _scatter

        out_handles += [
            pltpu.async_copy(cls_v, cls_hbm.at[row], out_sem),
            pltpu.async_copy(delta_v, delta_hbm.at[row], out_sem),
            pltpu.async_copy(mask_v, mask_hbm.at[row], out_sem),
            pltpu.async_copy(w_v, w_hbm.at[row], out_sem),
        ]

    cnt_v[...] = total
    for h in out_handles:
        h.wait()
    pltpu.sync_copy(cnt_v, cnt_hbm.at[wid])


_sc_call = functools.partial(
    pl.kernel,
    out_type=[
        jax.ShapeDtypeStruct((_B, _FW), jnp.float32),
        jax.ShapeDtypeStruct((_B, 128, 128), jnp.float32),
        jax.ShapeDtypeStruct((_B, _FW), jnp.float32),
        jax.ShapeDtypeStruct((_B, _FW), jnp.float32),
        jax.ShapeDtypeStruct((_NW, _LANES), jnp.float32),
    ],
    mesh=plsc.VectorSubcoreMesh(core_axis_name="c", subcore_axis_name="s",
                                num_cores=_NC, num_subcores=_NS),
    compiler_params=pltpu.CompilerParams(needs_layout_passes=False),
    scratch_types=[
        [pltpu.VMEM((2 * _L,), jnp.float32) for _ in range(_RPW)],
        [pltpu.VMEM((_FW,), jnp.float32) for _ in range(_RPW)],
        [pltpu.VMEM((128, 128), jnp.float32) for _ in range(_RPW)],
        [pltpu.VMEM((_FW,), jnp.float32) for _ in range(_RPW)],
        [pltpu.VMEM((_FW,), jnp.float32) for _ in range(_RPW)],
        pltpu.VMEM((_LANES,), jnp.float32),
        [pltpu.SemaphoreType.DMA for _ in range(_RPW)],
        pltpu.SemaphoreType.DMA,
    ],
)(_sc_body)


def kernel(split_line_pos, feat_width, real_features_width, pred_cls_logit):
    b, l, _ = split_line_pos.shape
    fw = pred_cls_logit.shape[1]
    slp2 = split_line_pos.reshape(b, 2 * l)
    cls, delta, mask, w, cnt = _sc_call(slp2)
    num_pos = jnp.sum(cnt)
    num_neg = jnp.asarray(feat_width).astype(jnp.float32) * b - num_pos
    delta3 = delta.reshape(b, fw // 128, 2, 128).transpose(0, 1, 3, 2)
    delta3 = delta3.reshape(b, fw, 2)
    return (cls, delta3, mask, w, num_pos, num_neg)

# --- scband reference (transcript-rebuilt; emitter-appended) ---
"""Pipeline reference for scband-segment-target-17205638988703 (READ-ONLY COPY).

The authoritative reference and input builder live on the scoring server;
editing this copy changes nothing except your own understanding.
"""

import jax, jax.numpy as jnp
import numpy as np

FEAT_STRIDE = 16
LABEL_SMOOTHING = 0.1
POS_WEIGHT = 2.0
NEG_WEIGHT = 1.0
PAD_WEIGHT = 1.0

B, L, FEAT_WIDTH = 64, 1024, 8192
POS_MAX = FEAT_WIDTH * FEAT_STRIDE


def setup_inputs(seed: int = 0):
    key = jax.random.key(seed)
    k1, k2, k3 = jax.random.split(key, 3)
    # sorted positions so interval numbers are non-decreasing per row (matches the
    # module's consecutive-duplicate dedup assumption)
    flat = jax.random.randint(k1, (B, L * 2), 0, POS_MAX)
    split_line_pos = jnp.sort(flat, axis=1).reshape(B, L, 2).astype(jnp.float32)
    real_features_width = jax.random.randint(k2, (B,), 0, FEAT_WIDTH)
    pred_cls_logit = jax.random.normal(k3, (B, FEAT_WIDTH), dtype=jnp.float32)
    return {
        "split_line_pos": split_line_pos,
        "feat_width": FEAT_WIDTH,
        "real_features_width": real_features_width,
        "pred_cls_logit": pred_cls_logit,
    }


def reference(split_line_pos, feat_width, real_features_width, pred_cls_logit):
    batch_size = split_line_pos.shape[0]
    fw = pred_cls_logit.shape[1]
    x1 = split_line_pos[..., 0]
    x2 = split_line_pos[..., 1]
    center = (x1 + x2) * 0.5
    xin = jnp.floor(center / FEAT_STRIDE)
    first = -jnp.ones((batch_size, 1), dtype=xin.dtype)
    prev = jnp.concatenate([first, xin[:, :-1]], axis=1)
    xin = jnp.where(xin == prev, -1.0, xin)
    valid = xin >= 0
    valid_f = valid.astype(jnp.float32)
    xin_safe = jnp.where(valid, xin, 0.0).astype(jnp.int32)
    bidx = jnp.broadcast_to(jnp.arange(batch_size)[:, None], xin.shape)
    interval_mask = jnp.zeros((batch_size, fw), jnp.float32).at[bidx, xin_safe].add(valid_f)
    interval_split_line = jnp.zeros((batch_size, fw, 2), jnp.float32).at[bidx, xin_safe].add(split_line_pos * valid_f[..., None])
    interval_cls_goals = jnp.where(interval_mask == 0.0, LABEL_SMOOTHING, 1.0 - LABEL_SMOOTHING)
    interval_center = (jnp.arange(fw, dtype=jnp.float32) + 0.5) * FEAT_STRIDE
    interval_center = jnp.tile(interval_center[:, None], (1, 2))[None, ...]
    split_line_delta = (interval_split_line - interval_center) / FEAT_STRIDE
    num_pos = jnp.sum(valid_f)
    neg_flag = (interval_mask == 0.0).astype(jnp.float32)
    feat_region = jnp.arange(fw, dtype=jnp.int32)[None, :]
    rfw = real_features_width.astype(jnp.int32)[:, None]
    inside_weights = jnp.where(feat_region <= rfw, NEG_WEIGHT, PAD_WEIGHT)
    inside_weights = jnp.where(neg_flag == 1.0, inside_weights, 0.0)
    inside_weights = jnp.where(interval_mask == 1.0, POS_WEIGHT, inside_weights)
    num_neg = jnp.asarray(feat_width).astype(jnp.float32) * batch_size - num_pos
    return (interval_cls_goals, split_line_delta, interval_mask, inside_weights, num_pos, num_neg)

if __name__ == "__main__":
    import jax
    _d = setup_inputs()
    print(jax.jit(kernel)(*tuple(_d.values())))

</pallas_src>

<mosaic_0001>
#map = affine_map<(d0, d1) -> (0, 0)>
#map1 = affine_map<(d0, d1) -> (0, 0, 0)>
module attributes {stable_mosaic.version = 14 : i64} {
  func.func @_sc_body(%arg0: i32, %arg1: i32, %arg2: memref<64x2048xf32, #tpu.memory_space<hbm>>, %arg3: memref<64x8192xf32, #tpu.memory_space<hbm>>, %arg4: memref<64x128x128xf32, #tpu.memory_space<hbm>>, %arg5: memref<64x8192xf32, #tpu.memory_space<hbm>>, %arg6: memref<64x8192xf32, #tpu.memory_space<hbm>>, %arg7: memref<32x16xf32, #tpu.memory_space<hbm>>, %arg8: memref<2048xf32, #tpu.memory_space<vmem>>, %arg9: memref<2048xf32, #tpu.memory_space<vmem>>, %arg10: memref<8192xf32, #tpu.memory_space<vmem>>, %arg11: memref<8192xf32, #tpu.memory_space<vmem>>, %arg12: memref<128x128xf32, #tpu.memory_space<vmem>>, %arg13: memref<128x128xf32, #tpu.memory_space<vmem>>, %arg14: memref<8192xf32, #tpu.memory_space<vmem>>, %arg15: memref<8192xf32, #tpu.memory_space<vmem>>, %arg16: memref<8192xf32, #tpu.memory_space<vmem>>, %arg17: memref<8192xf32, #tpu.memory_space<vmem>>, %arg18: memref<16xf32, #tpu.memory_space<vmem>>, %arg19: memref<!tpu.dma_semaphore, #tpu.memory_space<semaphore_mem>>, %arg20: memref<!tpu.dma_semaphore, #tpu.memory_space<semaphore_mem>>, %arg21: memref<!tpu.dma_semaphore, #tpu.memory_space<semaphore_mem>>) attributes {dimension_semantics = [#tpu.dimension_semantics<core_parallel>, #tpu.dimension_semantics<subcore_parallel>], iteration_bounds = array<i64: 2, 16>, scalar_prefetch = 0 : i64, scratch_operands = 14 : i64, tpu.core_type = #tpu.core_type<sc_vector_subcore>, window_params = [{transform_indices = #map}, {transform_indices = #map}, {transform_indices = #map1}, {transform_indices = #map}, {transform_indices = #map}, {transform_indices = #map}]} {
    %mul3A = arith.constant 2 : i32
    %mul3A_0 = arith.muli %arg1, %mul3A : i32
    %add3A = arith.addi %mul3A_0, %arg0 : i32
    %iota3A = tpu.iota {dimensions = array<i32: 0>} : vector<16xi32>
    %broadcast_in_dim3A = arith.constant 1.000000e+00 : f32
    %broadcast_in_dim3A_1 = vector.broadcast %broadcast_in_dim3A : f32 to vector<16xf32>
    %broadcast_in_dim3A_2 = arith.constant 0.000000e+00 : f32
    %broadcast_in_dim3A_3 = vector.broadcast %broadcast_in_dim3A_2 : f32 to vector<16xf32>
    %broadcast_in_dim3A_4 = arith.constant 1.000000e-01 : f32
    %broadcast_in_dim3A_5 = vector.broadcast %broadcast_in_dim3A_4 : f32 to vector<16xf32>
    %broadcast_in_dim3A_6 = arith.constant 0.899999976 : f32
    %broadcast_in_dim3A_7 = vector.broadcast %broadcast_in_dim3A_6 : f32 to vector<16xf32>
    %broadcast_in_dim3A_8 = arith.constant 2.000000e+00 : f32
    %broadcast_in_dim3A_9 = vector.broadcast %broadcast_in_dim3A_8 : f32 to vector<16xf32>
    %mul3A_10 = arith.constant 2 : i32
    %mul3A_11 = arith.muli %add3A, %mul3A_10 : i32
    %add3A_12 = arith.constant 0 : i32
    %add3A_13 = arith.addi %mul3A_11, %add3A_12 : i32
    %dma_start3A = arith.constant 0 : i32
    %dma_start3A_14 = tpu.memref_slice %arg2[%add3A_13, %dma_start3A] : memref<64x2048xf32, #tpu.memory_space<hbm>> -> memref<1x2048xf32, #tpu.memory_space<hbm>>
    %dma_start3A_15 = tpu.memref_squeeze %dma_start3A_14 : memref<1x2048xf32, #tpu.memory_space<hbm>> -> memref<2048xf32, #tpu.memory_space<hbm>>
    %dma_start3A_16 = arith.constant 0 : i32
    %dma_start3A_17 = tpu.memref_slice %arg2[%add3A_13, %dma_start3A_16] : memref<64x2048xf32, #tpu.memory_space<hbm>> -> memref<1x2048xf32, #tpu.memory_space<hbm>>
    %dma_start3A_18 = tpu.memref_squeeze %dma_start3A_17 : memref<1x2048xf32, #tpu.memory_space<hbm>> -> memref<2048xf32, #tpu.memory_space<hbm>>
    tpu.enqueue_dma source(%dma_start3A_18 : memref<2048xf32, #tpu.memory_space<hbm>>) target(%arg8 : memref<2048xf32, #tpu.memory_space<vmem>>) target_semaphore(%arg19 : memref<!tpu.dma_semaphore, #tpu.memory_space<semaphore_mem>>)
    %mul3A_19 = arith.constant 2 : i32
    %mul3A_20 = arith.muli %add3A, %mul3A_19 : i32
    %add3A_21 = arith.constant 1 : i32
    %add3A_22 = arith.addi %mul3A_20, %add3A_21 : i32
    %dma_start3A_23 = arith.constant 0 : i32
    %dma_start3A_24 = tpu.memref_slice %arg2[%add3A_22, %dma_start3A_23] : memref<64x2048xf32, #tpu.memory_space<hbm>> -> memref<1x2048xf32, #tpu.memory_space<hbm>>
    %dma_start3A_25 = tpu.memref_squeeze %dma_start3A_24 : memref<1x2048xf32, #tpu.memory_space<hbm>> -> memref<2048xf32, #tpu.memory_space<hbm>>
    %dma_start3A_26 = arith.constant 0 : i32
    %dma_start3A_27 = tpu.memref_slice %arg2[%add3A_22, %dma_start3A_26] : memref<64x2048xf32, #tpu.memory_space<hbm>> -> memref<1x2048xf32, #tpu.memory_space<hbm>>
    %dma_start3A_28 = tpu.memref_squeeze %dma_start3A_27 : memref<1x2048xf32, #tpu.memory_space<hbm>> -> memref<2048xf32, #tpu.memory_space<hbm>>
    tpu.enqueue_dma source(%dma_start3A_28 : memref<2048xf32, #tpu.memory_space<hbm>>) target(%arg9 : memref<2048xf32, #tpu.memory_space<vmem>>) target_semaphore(%arg20 : memref<!tpu.dma_semaphore, #tpu.memory_space<semaphore_mem>>)
    %mul3A_29 = arith.constant 2 : i32
    %mul3A_30 = arith.muli %add3A, %mul3A_29 : i32
    %add3A_31 = arith.constant 0 : i32
    %add3A_32 = arith.addi %mul3A_30, %add3A_31 : i32
    %parallel_loop3A = arith.constant 0 : i32
    %parallel_loop3A_33 = arith.constant 512 : i32
    %parallel_loop3A_34 = arith.constant 1 : i32
    scf.for %parallel_loop3A_166 = %parallel_loop3A to %parallel_loop3A_33 step %parallel_loop3A_34  : i32 {
      %parallel_loop3A_167 = arith.constant 16 : i32
      %parallel_loop3A_168 = arith.muli %parallel_loop3A_166, %parallel_loop3A_167 : i32
      %parallel_loop3A_169 = arith.index_cast %parallel_loop3A_168 : i32 to index
      %parallel_loop3A_170 = tpu.vector_load %arg10[%parallel_loop3A_169] {strides = array<i32>} : memref<8192xf32, #tpu.memory_space<vmem>>, vector<16xf32>,
      tpu.vector_store %arg10[%parallel_loop3A_169], %broadcast_in_dim3A_5 {strides = array<i32>} : memref<8192xf32, #tpu.memory_space<vmem>>, vector<16xf32>,
      %parallel_loop3A_171 = arith.index_cast %parallel_loop3A_168 : i32 to index
      %parallel_loop3A_172 = tpu.vector_load %arg14[%parallel_loop3A_171] {strides = array<i32>} : memref<8192xf32, #tpu.memory_space<vmem>>, vector<16xf32>,
      tpu.vector_store %arg14[%parallel_loop3A_171], %broadcast_in_dim3A_3 {strides = array<i32>} : memref<8192xf32, #tpu.memory_space<vmem>>, vector<16xf32>,
      %parallel_loop3A_173 = arith.index_cast %parallel_loop3A_168 : i32 to index
      %parallel_loop3A_174 = tpu.vector_load %arg16[%parallel_loop3A_173] {strides = array<i32>} : memref<8192xf32, #tpu.memory_space<vmem>>, vector<16xf32>,
      tpu.vector_store %arg16[%parallel_loop3A_173], %broadcast_in_dim3A_1 {strides = array<i32>} : memref<8192xf32, #tpu.memory_space<vmem>>, vector<16xf32>,
      %parallel_loop3A_175 = vector.broadcast %parallel_loop3A_168 : i32 to vector<16xi32>
      %parallel_loop3A_176 = arith.addi %parallel_loop3A_175, %iota3A : vector<16xi32>
      %parallel_loop3A_177 = arith.sitofp %parallel_loop3A_176 : vector<16xi32> to vector<16xf32>
      %parallel_loop3A_178 = arith.constant 5.000000e-01 : f32
      %parallel_loop3A_179 = vector.broadcast %parallel_loop3A_178 : f32 to vector<16xf32>
      %parallel_loop3A_180 = arith.addf %parallel_loop3A_177, %parallel_loop3A_179 : vector<16xf32>
      %parallel_loop3A_181 = arith.constant 0.000000e+00 : f32
      %parallel_loop3A_182 = vector.broadcast %parallel_loop3A_181 : f32 to vector<16xf32>
      %parallel_loop3A_183 = arith.subf %parallel_loop3A_182, %parallel_loop3A_180 : vector<16xf32>
      %parallel_loop3A_184 = arith.constant 7 : i32
      %parallel_loop3A_185 = arith.shrui %parallel_loop3A_168, %parallel_loop3A_184 : i32
      %parallel_loop3A_186 = arith.constant 2 : i32
      %parallel_loop3A_187 = arith.muli %parallel_loop3A_186, %parallel_loop3A_185 : i32
      %parallel_loop3A_188 = arith.constant 127 : i32
      %parallel_loop3A_189 = arith.andi %parallel_loop3A_168, %parallel_loop3A_188 : i32
      %parallel_loop3A_190 = arith.index_cast %parallel_loop3A_187 : i32 to index
      %parallel_loop3A_191 = arith.index_cast %parallel_loop3A_189 : i32 to index
      %parallel_loop3A_192 = tpu.vector_load %arg12[%parallel_loop3A_190, %parallel_loop3A_191] {strides = array<i32>} : memref<128x128xf32, #tpu.memory_space<vmem>>, vector<16xf32>,
      tpu.vector_store %arg12[%parallel_loop3A_190, %parallel_loop3A_191], %parallel_loop3A_183 {strides = array<i32>} : memref<128x128xf32, #tpu.memory_space<vmem>>, vector<16xf32>,
      %parallel_loop3A_193 = arith.constant 1 : i32
      %parallel_loop3A_194 = arith.addi %parallel_loop3A_187, %parallel_loop3A_193 : i32
      %parallel_loop3A_195 = arith.index_cast %parallel_loop3A_194 : i32 to index
      %parallel_loop3A_196 = arith.index_cast %parallel_loop3A_189 : i32 to index
      %parallel_loop3A_197 = tpu.vector_load %arg12[%parallel_loop3A_195, %parallel_loop3A_196] {strides = array<i32>} : memref<128x128xf32, #tpu.memory_space<vmem>>, vector<16xf32>,
      tpu.vector_store %arg12[%parallel_loop3A_195, %parallel_loop3A_196], %parallel_loop3A_183 {strides = array<i32>} : memref<128x128xf32, #tpu.memory_space<vmem>>, vector<16xf32>,
    } {sc.loop_unroll_factor = 8 : i64, sc.parallel_access}
    %dma_wait3A = arith.constant 0 : i32
    %dma_wait3A_35 = tpu.memref_slice %arg2[%add3A_13, %dma_wait3A] : memref<64x2048xf32, #tpu.memory_space<hbm>> -> memref<1x2048xf32, #tpu.memory_space<hbm>>
    %dma_wait3A_36 = tpu.memref_squeeze %dma_wait3A_35 : memref<1x2048xf32, #tpu.memory_space<hbm>> -> memref<2048xf32, #tpu.memory_space<hbm>>
    %dma_wait3A_37 = arith.constant 0 : i32
    %dma_wait3A_38 = tpu.memref_slice %arg2[%add3A_13, %dma_wait3A_37] : memref<64x2048xf32, #tpu.memory_space<hbm>> -> memref<1x2048xf32, #tpu.memory_space<hbm>>
    %dma_wait3A_39 = tpu.memref_squeeze %dma_wait3A_38 : memref<1x2048xf32, #tpu.memory_space<hbm>> -> memref<2048xf32, #tpu.memory_space<hbm>>
    tpu.wait_dma2 semaphore(%arg19 : memref<!tpu.dma_semaphore, #tpu.memory_space<semaphore_mem>>) src(%dma_wait3A_39 : memref<2048xf32, #tpu.memory_space<hbm>>) dst(%arg8 : memref<2048xf32, #tpu.memory_space<vmem>>)
    %parallel_loop3A_40 = arith.constant 0 : i32
    %parallel_loop3A_41 = arith.constant 64 : i32
    %parallel_loop3A_42 = arith.constant 1 : i32
    %parallel_loop3A_43 = scf.for %parallel_loop3A_166 = %parallel_loop3A_40 to %parallel_loop3A_41 step %parallel_loop3A_42 iter_args(%parallel_loop3A_167 = %broadcast_in_dim3A_3) -> (vector<16xf32>)  : i32 {
      %parallel_loop3A_168 = arith.constant 16 : i32
      %parallel_loop3A_169 = arith.muli %parallel_loop3A_166, %parallel_loop3A_168 : i32
      %parallel_loop3A_170 = vector.broadcast %parallel_loop3A_169 : i32 to vector<16xi32>
      %parallel_loop3A_171 = arith.addi %parallel_loop3A_170, %iota3A : vector<16xi32>
      %parallel_loop3A_172 = arith.constant 2 : i32
      %parallel_loop3A_173 = vector.broadcast %parallel_loop3A_172 : i32 to vector<16xi32>
      %parallel_loop3A_174 = arith.muli %parallel_loop3A_173, %parallel_loop3A_171 : vector<16xi32>
      %parallel_loop3A_175 = tpu.vector_load_idx %arg8[%parallel_loop3A_174] : memref<2048xf32, #tpu.memory_space<vmem>>[vector<16xi32>], vector<16xf32>,
      %parallel_loop3A_176 = arith.constant 1 : i32
      %parallel_loop3A_177 = vector.broadcast %parallel_loop3A_176 : i32 to vector<16xi32>
      %parallel_loop3A_178 = arith.addi %parallel_loop3A_174, %parallel_loop3A_177 : vector<16xi32>
      %parallel_loop3A_179 = tpu.vector_load_idx %arg8[%parallel_loop3A_178] : memref<2048xf32, #tpu.memory_space<vmem>>[vector<16xi32>], vector<16xf32>,
      %parallel_loop3A_180 = arith.constant 1 : i32
      %parallel_loop3A_181 = vector.broadcast %parallel_loop3A_180 : i32 to vector<16xi32>
      %parallel_loop3A_182 = arith.subi %parallel_loop3A_171, %parallel_loop3A_181 : vector<16xi32>
      %parallel_loop3A_183 = arith.constant 0 : i32
      %parallel_loop3A_184 = vector.broadcast %parallel_loop3A_183 : i32 to vector<16xi32>
      %parallel_loop3A_185 = arith.maxsi %parallel_loop3A_182, %parallel_loop3A_184 : vector<16xi32>
      %parallel_loop3A_186 = arith.constant 2 : i32
      %parallel_loop3A_187 = vector.broadcast %parallel_loop3A_186 : i32 to vector<16xi32>
      %parallel_loop3A_188 = arith.muli %parallel_loop3A_187, %parallel_loop3A_185 : vector<16xi32>
      %parallel_loop3A_189 = tpu.vector_load_idx %arg8[%parallel_loop3A_188] : memref<2048xf32, #tpu.memory_space<vmem>>[vector<16xi32>], vector<16xf32>,
      %parallel_loop3A_190 = arith.constant 1 : i32
      %parallel_loop3A_191 = vector.broadcast %parallel_loop3A_190 : i32 to vector<16xi32>
      %parallel_loop3A_192 = arith.addi %parallel_loop3A_188, %parallel_loop3A_191 : vector<16xi32>
      %parallel_loop3A_193 = tpu.vector_load_idx %arg8[%parallel_loop3A_192] : memref<2048xf32, #tpu.memory_space<vmem>>[vector<16xi32>], vector<16xf32>,
      %parallel_loop3A_194 = arith.addf %parallel_loop3A_175, %parallel_loop3A_179 : vector<16xf32>
      %parallel_loop3A_195 = arith.fptosi %parallel_loop3A_194 : vector<16xf32> to vector<16xi32>
      %parallel_loop3A_196 = arith.constant 5 : i32
      %parallel_loop3A_197 = vector.broadcast %parallel_loop3A_196 : i32 to vector<16xi32>
      %parallel_loop3A_198 = arith.shrui %parallel_loop3A_195, %parallel_loop3A_197 : vector<16xi32>
      %parallel_loop3A_199 = arith.addf %parallel_loop3A_189, %parallel_loop3A_193 : vector<16xf32>
      %parallel_loop3A_200 = arith.fptosi %parallel_loop3A_199 : vector<16xf32> to vector<16xi32>
      %parallel_loop3A_201 = arith.constant 5 : i32
      %parallel_loop3A_202 = vector.broadcast %parallel_loop3A_201 : i32 to vector<16xi32>
      %parallel_loop3A_203 = arith.shrui %parallel_loop3A_200, %parallel_loop3A_202 : vector<16xi32>
      %parallel_loop3A_204 = arith.cmpi ne, %parallel_loop3A_198, %parallel_loop3A_203 : vector<16xi32>
      %parallel_loop3A_205 = arith.constant 0 : i32
      %parallel_loop3A_206 = vector.broadcast %parallel_loop3A_205 : i32 to vector<16xi32>
      %parallel_loop3A_207 = arith.cmpi eq, %parallel_loop3A_171, %parallel_loop3A_206 : vector<16xi32>
      %parallel_loop3A_208 = arith.ori %parallel_loop3A_204, %parallel_loop3A_207 : vector<16xi1>
      tpu.vector_store_idx %arg14[%parallel_loop3A_198], %broadcast_in_dim3A_1 masked %parallel_loop3A_208 : memref<8192xf32, #tpu.memory_space<vmem>>[vector<16xi32>], vector<16xf32>, vector<16xi1>
      tpu.vector_store_idx %arg10[%parallel_loop3A_198], %broadcast_in_dim3A_7 masked %parallel_loop3A_208 : memref<8192xf32, #tpu.memory_space<vmem>>[vector<16xi32>], vector<16xf32>, vector<16xi1>
      tpu.vector_store_idx %arg16[%parallel_loop3A_198], %broadcast_in_dim3A_9 masked %parallel_loop3A_208 : memref<8192xf32, #tpu.memory_space<vmem>>[vector<16xi32>], vector<16xf32>, vector<16xi1>
      %parallel_loop3A_209 = arith.sitofp %parallel_loop3A_198 : vector<16xi32> to vector<16xf32>
      %parallel_loop3A_210 = arith.constant 5.000000e-01 : f32
      %parallel_loop3A_211 = vector.broadcast %parallel_loop3A_210 : f32 to vector<16xf32>
      %parallel_loop3A_212 = arith.addf %parallel_loop3A_209, %parallel_loop3A_211 : vector<16xf32>
      %parallel_loop3A_213 = arith.constant 7 : i32
      %parallel_loop3A_214 = vector.broadcast %parallel_loop3A_213 : i32 to vector<16xi32>
      %parallel_loop3A_215 = arith.shrui %parallel_loop3A_198, %parallel_loop3A_214 : vector<16xi32>
      %parallel_loop3A_216 = arith.constant 2 : i32
      %parallel_loop3A_217 = vector.broadcast %parallel_loop3A_216 : i32 to vector<16xi32>
      %parallel_loop3A_218 = arith.muli %parallel_loop3A_217, %parallel_loop3A_215 : vector<16xi32>
      %parallel_loop3A_219 = arith.constant 127 : i32
      %parallel_loop3A_220 = vector.broadcast %parallel_loop3A_219 : i32 to vector<16xi32>
      %parallel_loop3A_221 = arith.andi %parallel_loop3A_198, %parallel_loop3A_220 : vector<16xi32>
      %parallel_loop3A_222 = arith.constant 6.250000e-02 : f32
      %parallel_loop3A_223 = vector.broadcast %parallel_loop3A_222 : f32 to vector<16xf32>
      %parallel_loop3A_224 = arith.mulf %parallel_loop3A_175, %parallel_loop3A_223 : vector<16xf32>
      %parallel_loop3A_225 = arith.subf %parallel_loop3A_224, %parallel_loop3A_212 : vector<16xf32>
      tpu.vector_store_idx %arg12[%parallel_loop3A_218, %parallel_loop3A_221], %parallel_loop3A_225 masked %parallel_loop3A_208 : memref<128x128xf32, #tpu.memory_space<vmem>>[vector<16xi32>, vector<16xi32>], vector<16xf32>, vector<16xi1>
      %parallel_loop3A_226 = arith.constant 1 : i32
      %parallel_loop3A_227 = vector.broadcast %parallel_loop3A_226 : i32 to vector<16xi32>
      %parallel_loop3A_228 = arith.addi %parallel_loop3A_218, %parallel_loop3A_227 : vector<16xi32>
      %parallel_loop3A_229 = arith.constant 6.250000e-02 : f32
      %parallel_loop3A_230 = vector.broadcast %parallel_loop3A_229 : f32 to vector<16xf32>
      %parallel_loop3A_231 = arith.mulf %parallel_loop3A_179, %parallel_loop3A_230 : vector<16xf32>
      %parallel_loop3A_232 = arith.subf %parallel_loop3A_231, %parallel_loop3A_212 : vector<16xf32>
      tpu.vector_store_idx %arg12[%parallel_loop3A_228, %parallel_loop3A_221], %parallel_loop3A_232 masked %parallel_loop3A_208 : memref<128x128xf32, #tpu.memory_space<vmem>>[vector<16xi32>, vector<16xi32>], vector<16xf32>, vector<16xi1>
      %parallel_loop3A_233 = arith.constant 1.000000e+00 : f32
      %parallel_loop3A_234 = arith.constant 0.000000e+00 : f32
      %parallel_loop3A_235 = vector.broadcast %parallel_loop3A_233 : f32 to vector<16xf32>
      %parallel_loop3A_236 = vector.broadcast %parallel_loop3A_234 : f32 to vector<16xf32>
      %parallel_loop3A_237 = arith.select %parallel_loop3A_208, %parallel_loop3A_235, %parallel_loop3A_236 : vector<16xi1>, vector<16xf32>
      %parallel_loop3A_238 = arith.addf %parallel_loop3A_167, %parallel_loop3A_237 : vector<16xf32>
      scf.yield %parallel_loop3A_238 : vector<16xf32>
    } {sc.loop_unroll_factor = 2 : i64, sc.parallel_access}
    %dma_start3A_44 = arith.constant 0 : i32
    %dma_start3A_45 = tpu.memref_slice %arg3[%add3A_32, %dma_start3A_44] : memref<64x8192xf32, #tpu.memory_space<hbm>> -> memref<1x8192xf32, #tpu.memory_space<hbm>>
    %dma_start3A_46 = tpu.memref_squeeze %dma_start3A_45 : memref<1x8192xf32, #tpu.memory_space<hbm>> -> memref<8192xf32, #tpu.memory_space<hbm>>
    %dma_start3A_47 = arith.constant 0 : i32
    %dma_start3A_48 = tpu.memref_slice %arg3[%add3A_32, %dma_start3A_47] : memref<64x8192xf32, #tpu.memory_space<hbm>> -> memref<1x8192xf32, #tpu.memory_space<hbm>>
    %dma_start3A_49 = tpu.memref_squeeze %dma_start3A_48 : memref<1x8192xf32, #tpu.memory_space<hbm>> -> memref<8192xf32, #tpu.memory_space<hbm>>
    tpu.enqueue_dma source(%arg10 : memref<8192xf32, #tpu.memory_space<vmem>>) target(%dma_start3A_49 : memref<8192xf32, #tpu.memory_space<hbm>>) target_semaphore(%arg21 : memref<!tpu.dma_semaphore, #tpu.memory_space<semaphore_mem>>)
    %dma_start3A_50 = arith.constant 0 : i32
    %dma_start3A_51 = arith.constant 0 : i32
    %dma_start3A_52 = tpu.memref_slice %arg4[%add3A_32, %dma_start3A_50, %dma_start3A_51] : memref<64x128x128xf32, #tpu.memory_space<hbm>> -> memref<1x128x128xf32, #tpu.memory_space<hbm>>
    %dma_start3A_53 = tpu.memref_squeeze %dma_start3A_52 : memref<1x128x128xf32, #tpu.memory_space<hbm>> -> memref<128x128xf32, #tpu.memory_space<hbm>>
    %dma_start3A_54 = arith.constant 0 : i32
    %dma_start3A_55 = arith.constant 0 : i32
    %dma_start3A_56 = tpu.memref_slice %arg4[%add3A_32, %dma_start3A_54, %dma_start3A_55] : memref<64x128x128xf32, #tpu.memory_space<hbm>> -> memref<1x128x128xf32, #tpu.memory_space<hbm>>
    %dma_start3A_57 = tpu.memref_squeeze %dma_start3A_56 : memref<1x128x128xf32, #tpu.memory_space<hbm>> -> memref<128x128xf32, #tpu.memory_space<hbm>>
    tpu.enqueue_dma source(%arg12 : memref<128x128xf32, #tpu.memory_space<vmem>>) target(%dma_start3A_57 : memref<128x128xf32, #tpu.memory_space<hbm>>) target_semaphore(%arg21 : memref<!tpu.dma_semaphore, #tpu.memory_space<semaphore_mem>>)
    %dma_start3A_58 = arith.constant 0 : i32
    %dma_start3A_59 = tpu.memref_slice %arg5[%add3A_32, %dma_start3A_58] : memref<64x8192xf32, #tpu.memory_space<hbm>> -> memref<1x8192xf32, #tpu.memory_space<hbm>>
    %dma_start3A_60 = tpu.memref_squeeze %dma_start3A_59 : memref<1x8192xf32, #tpu.memory_space<hbm>> -> memref<8192xf32, #tpu.memory_space<hbm>>
    %dma_start3A_61 = arith.constant 0 : i32
    %dma_start3A_62 = tpu.memref_slice %arg5[%add3A_32, %dma_start3A_61] : memref<64x8192xf32, #tpu.memory_space<hbm>> -> memref<1x8192xf32, #tpu.memory_space<hbm>>
    %dma_start3A_63 = tpu.memref_squeeze %dma_start3A_62 : memref<1x8192xf32, #tpu.memory_space<hbm>> -> memref<8192xf32, #tpu.memory_space<hbm>>
    tpu.enqueue_dma source(%arg14 : memref<8192xf32, #tpu.memory_space<vmem>>) target(%dma_start3A_63 : memref<8192xf32, #tpu.memory_space<hbm>>) target_semaphore(%arg21 : memref<!tpu.dma_semaphore, #tpu.memory_space<semaphore_mem>>)
    %dma_start3A_64 = arith.constant 0 : i32
    %dma_start3A_65 = tpu.memref_slice %arg6[%add3A_32, %dma_start3A_64] : memref<64x8192xf32, #tpu.memory_space<hbm>> -> memref<1x8192xf32, #tpu.memory_space<hbm>>
    %dma_start3A_66 = tpu.memref_squeeze %dma_start3A_65 : memref<1x8192xf32, #tpu.memory_space<hbm>> -> memref<8192xf32, #tpu.memory_space<hbm>>
    %dma_start3A_67 = arith.constant 0 : i32
    %dma_start3A_68 = tpu.memref_slice %arg6[%add3A_32, %dma_start3A_67] : memref<64x8192xf32, #tpu.memory_space<hbm>> -> memref<1x8192xf32, #tpu.memory_space<hbm>>
    %dma_start3A_69 = tpu.memref_squeeze %dma_start3A_68 : memref<1x8192xf32, #tpu.memory_space<hbm>> -> memref<8192xf32, #tpu.memory_space<hbm>>
    tpu.enqueue_dma source(%arg16 : memref<8192xf32, #tpu.memory_space<vmem>>) target(%dma_start3A_69 : memref<8192xf32, #tpu.memory_space<hbm>>) target_semaphore(%arg21 : memref<!tpu.dma_semaphore, #tpu.memory_space<semaphore_mem>>)
    %mul3A_70 = arith.constant 2 : i32
    %mul3A_71 = arith.muli %add3A, %mul3A_70 : i32
    %add3A_72 = arith.constant 1 : i32
    %add3A_73 = arith.addi %mul3A_71, %add3A_72 : i32
    %parallel_loop3A_74 = arith.constant 0 : i32
    %parallel_loop3A_75 = arith.constant 512 : i32
    %parallel_loop3A_76 = arith.constant 1 : i32
    scf.for %parallel_loop3A_166 = %parallel_loop3A_74 to %parallel_loop3A_75 step %parallel_loop3A_76  : i32 {
      %parallel_loop3A_167 = arith.constant 16 : i32
      %parallel_loop3A_168 = arith.muli %parallel_loop3A_166, %parallel_loop3A_167 : i32
      %parallel_loop3A_169 = arith.index_cast %parallel_loop3A_168 : i32 to index
      %parallel_loop3A_170 = tpu.vector_load %arg11[%parallel_loop3A_169] {strides = array<i32>} : memref<8192xf32, #tpu.memory_space<vmem>>, vector<16xf32>,
      tpu.vector_store %arg11[%parallel_loop3A_169], %broadcast_in_dim3A_5 {strides = array<i32>} : memref<8192xf32, #tpu.memory_space<vmem>>, vector<16xf32>,
      %parallel_loop3A_171 = arith.index_cast %parallel_loop3A_168 : i32 to index
      %parallel_loop3A_172 = tpu.vector_load %arg15[%parallel_loop3A_171] {strides = array<i32>} : memref<8192xf32, #tpu.memory_space<vmem>>, vector<16xf32>,
      tpu.vector_store %arg15[%parallel_loop3A_171], %broadcast_in_dim3A_3 {strides = array<i32>} : memref<8192xf32, #tpu.memory_space<vmem>>, vector<16xf32>,
      %parallel_loop3A_173 = arith.index_cast %parallel_loop3A_168 : i32 to index
      %parallel_loop3A_174 = tpu.vector_load %arg17[%parallel_loop3A_173] {strides = array<i32>} : memref<8192xf32, #tpu.memory_space<vmem>>, vector<16xf32>,
      tpu.vector_store %arg17[%parallel_loop3A_173], %broadcast_in_dim3A_1 {strides = array<i32>} : memref<8192xf32, #tpu.memory_space<vmem>>, vector<16xf32>,
      %parallel_loop3A_175 = vector.broadcast %parallel_loop3A_168 : i32 to vector<16xi32>
      %parallel_loop3A_176 = arith.addi %parallel_loop3A_175, %iota3A : vector<16xi32>
      %parallel_loop3A_177 = arith.sitofp %parallel_loop3A_176 : vector<16xi32> to vector<16xf32>
      %parallel_loop3A_178 = arith.constant 5.000000e-01 : f32
      %parallel_loop3A_179 = vector.broadcast %parallel_loop3A_178 : f32 to vector<16xf32>
      %parallel_loop3A_180 = arith.addf %parallel_loop3A_177, %parallel_loop3A_179 : vector<16xf32>
      %parallel_loop3A_181 = arith.constant 0.000000e+00 : f32
      %parallel_loop3A_182 = vector.broadcast %parallel_loop3A_181 : f32 to vector<16xf32>
      %parallel_loop3A_183 = arith.subf %parallel_loop3A_182, %parallel_loop3A_180 : vector<16xf32>
      %parallel_loop3A_184 = arith.constant 7 : i32
      %parallel_loop3A_185 = arith.shrui %parallel_loop3A_168, %parallel_loop3A_184 : i32
      %parallel_loop3A_186 = arith.constant 2 : i32
      %parallel_loop3A_187 = arith.muli %parallel_loop3A_186, %parallel_loop3A_185 : i32
      %parallel_loop3A_188 = arith.constant 127 : i32
      %parallel_loop3A_189 = arith.andi %parallel_loop3A_168, %parallel_loop3A_188 : i32
      %parallel_loop3A_190 = arith.index_cast %parallel_loop3A_187 : i32 to index
      %parallel_loop3A_191 = arith.index_cast %parallel_loop3A_189 : i32 to index
      %parallel_loop3A_192 = tpu.vector_load %arg13[%parallel_loop3A_190, %parallel_loop3A_191] {strides = array<i32>} : memref<128x128xf32, #tpu.memory_space<vmem>>, vector<16xf32>,
      tpu.vector_store %arg13[%parallel_loop3A_190, %parallel_loop3A_191], %parallel_loop3A_183 {strides = array<i32>} : memref<128x128xf32, #tpu.memory_space<vmem>>, vector<16xf32>,
      %parallel_loop3A_193 = arith.constant 1 : i32
      %parallel_loop3A_194 = arith.addi %parallel_loop3A_187, %parallel_loop3A_193 : i32
      %parallel_loop3A_195 = arith.index_cast %parallel_loop3A_194 : i32 to index
      %parallel_loop3A_196 = arith.index_cast %parallel_loop3A_189 : i32 to index
      %parallel_loop3A_197 = tpu.vector_load %arg13[%parallel_loop3A_195, %parallel_loop3A_196] {strides = array<i32>} : memref<128x128xf32, #tpu.memory_space<vmem>>, vector<16xf32>,
      tpu.vector_store %arg13[%parallel_loop3A_195, %parallel_loop3A_196], %parallel_loop3A_183 {strides = array<i32>} : memref<128x128xf32, #tpu.memory_space<vmem>>, vector<16xf32>,
    } {sc.loop_unroll_factor = 8 : i64, sc.parallel_access}
    %dma_wait3A_77 = arith.constant 0 : i32
    %dma_wait3A_78 = tpu.memref_slice %arg2[%add3A_22, %dma_wait3A_77] : memref<64x2048xf32, #tpu.memory_space<hbm>> -> memref<1x2048xf32, #tpu.memory_space<hbm>>
    %dma_wait3A_79 = tpu.memref_squeeze %dma_wait3A_78 : memref<1x2048xf32, #tpu.memory_space<hbm>> -> memref<2048xf32, #tpu.memory_space<hbm>>
    %dma_wait3A_80 = arith.constant 0 : i32
    %dma_wait3A_81 = tpu.memref_slice %arg2[%add3A_22, %dma_wait3A_80] : memref<64x2048xf32, #tpu.memory_space<hbm>> -> memref<1x2048xf32, #tpu.memory_space<hbm>>
    %dma_wait3A_82 = tpu.memref_squeeze %dma_wait3A_81 : memref<1x2048xf32, #tpu.memory_space<hbm>> -> memref<2048xf32, #tpu.memory_space<hbm>>
    tpu.wait_dma2 semaphore(%arg20 : memref<!tpu.dma_semaphore, #tpu.memory_space<semaphore_mem>>) src(%dma_wait3A_82 : memref<2048xf32, #tpu.memory_space<hbm>>) dst(%arg9 : memref<2048xf32, #tpu.memory_space<vmem>>)
    %parallel_loop3A_83 = arith.constant 0 : i32
    %parallel_loop3A_84 = arith.constant 64 : i32
    %parallel_loop3A_85 = arith.constant 1 : i32
    %parallel_loop3A_86 = scf.for %parallel_loop3A_166 = %parallel_loop3A_83 to %parallel_loop3A_84 step %parallel_loop3A_85 iter_args(%parallel_loop3A_167 = %parallel_loop3A_43) -> (vector<16xf32>)  : i32 {
      %parallel_loop3A_168 = arith.constant 16 : i32
      %parallel_loop3A_169 = arith.muli %parallel_loop3A_166, %parallel_loop3A_168 : i32
      %parallel_loop3A_170 = vector.broadcast %parallel_loop3A_169 : i32 to vector<16xi32>
      %parallel_loop3A_171 = arith.addi %parallel_loop3A_170, %iota3A : vector<16xi32>
      %parallel_loop3A_172 = arith.constant 2 : i32
      %parallel_loop3A_173 = vector.broadcast %parallel_loop3A_172 : i32 to vector<16xi32>
      %parallel_loop3A_174 = arith.muli %parallel_loop3A_173, %parallel_loop3A_171 : vector<16xi32>
      %parallel_loop3A_175 = tpu.vector_load_idx %arg9[%parallel_loop3A_174] : memref<2048xf32, #tpu.memory_space<vmem>>[vector<16xi32>], vector<16xf32>,
      %parallel_loop3A_176 = arith.constant 1 : i32
      %parallel_loop3A_177 = vector.broadcast %parallel_loop3A_176 : i32 to vector<16xi32>
      %parallel_loop3A_178 = arith.addi %parallel_loop3A_174, %parallel_loop3A_177 : vector<16xi32>
      %parallel_loop3A_179 = tpu.vector_load_idx %arg9[%parallel_loop3A_178] : memref<2048xf32, #tpu.memory_space<vmem>>[vector<16xi32>], vector<16xf32>,
      %parallel_loop3A_180 = arith.constant 1 : i32
      %parallel_loop3A_181 = vector.broadcast %parallel_loop3A_180 : i32 to vector<16xi32>
      %parallel_loop3A_182 = arith.subi %parallel_loop3A_171, %parallel_loop3A_181 : vector<16xi32>
      %parallel_loop3A_183 = arith.constant 0 : i32
      %parallel_loop3A_184 = vector.broadcast %parallel_loop3A_183 : i32 to vector<16xi32>
      %parallel_loop3A_185 = arith.maxsi %parallel_loop3A_182, %parallel_loop3A_184 : vector<16xi32>
      %parallel_loop3A_186 = arith.constant 2 : i32
      %parallel_loop3A_187 = vector.broadcast %parallel_loop3A_186 : i32 to vector<16xi32>
      %parallel_loop3A_188 = arith.muli %parallel_loop3A_187, %parallel_loop3A_185 : vector<16xi32>
      %parallel_loop3A_189 = tpu.vector_load_idx %arg9[%parallel_loop3A_188] : memref<2048xf32, #tpu.memory_space<vmem>>[vector<16xi32>], vector<16xf32>,
      %parallel_loop3A_190 = arith.constant 1 : i32
      %parallel_loop3A_191 = vector.broadcast %parallel_loop3A_190 : i32 to vector<16xi32>
      %parallel_loop3A_192 = arith.addi %parallel_loop3A_188, %parallel_loop3A_191 : vector<16xi32>
      %parallel_loop3A_193 = tpu.vector_load_idx %arg9[%parallel_loop3A_192] : memref<2048xf32, #tpu.memory_space<vmem>>[vector<16xi32>], vector<16xf32>,
      %parallel_loop3A_194 = arith.addf %parallel_loop3A_175, %parallel_loop3A_179 : vector<16xf32>
      %parallel_loop3A_195 = arith.fptosi %parallel_loop3A_194 : vector<16xf32> to vector<16xi32>
      %parallel_loop3A_196 = arith.constant 5 : i32
      %parallel_loop3A_197 = vector.broadcast %parallel_loop3A_196 : i32 to vector<16xi32>
      %parallel_loop3A_198 = arith.shrui %parallel_loop3A_195, %parallel_loop3A_197 : vector<16xi32>
      %parallel_loop3A_199 = arith.addf %parallel_loop3A_189, %parallel_loop3A_193 : vector<16xf32>
      %parallel_loop3A_200 = arith.fptosi %parallel_loop3A_199 : vector<16xf32> to vector<16xi32>
      %parallel_loop3A_201 = arith.constant 5 : i32
      %parallel_loop3A_202 = vector.broadcast %parallel_loop3A_201 : i32 to vector<16xi32>
      %parallel_loop3A_203 = arith.shrui %parallel_loop3A_200, %parallel_loop3A_202 : vector<16xi32>
      %parallel_loop3A_204 = arith.cmpi ne, %parallel_loop3A_198, %parallel_loop3A_203 : vector<16xi32>
      %parallel_loop3A_205 = arith.constant 0 : i32
      %parallel_loop3A_206 = vector.broadcast %parallel_loop3A_205 : i32 to vector<16xi32>
      %parallel_loop3A_207 = arith.cmpi eq, %parallel_loop3A_171, %parallel_loop3A_206 : vector<16xi32>
      %parallel_loop3A_208 = arith.ori %parallel_loop3A_204, %parallel_loop3A_207 : vector<16xi1>
      tpu.vector_store_idx %arg15[%parallel_loop3A_198], %broadcast_in_dim3A_1 masked %parallel_loop3A_208 : memref<8192xf32, #tpu.memory_space<vmem>>[vector<16xi32>], vector<16xf32>, vector<16xi1>
      tpu.vector_store_idx %arg11[%parallel_loop3A_198], %broadcast_in_dim3A_7 masked %parallel_loop3A_208 : memref<8192xf32, #tpu.memory_space<vmem>>[vector<16xi32>], vector<16xf32>, vector<16xi1>
      tpu.vector_store_idx %arg17[%parallel_loop3A_198], %broadcast_in_dim3A_9 masked %parallel_loop3A_208 : memref<8192xf32, #tpu.memory_space<vmem>>[vector<16xi32>], vector<16xf32>, vector<16xi1>
      %parallel_loop3A_209 = arith.sitofp %parallel_loop3A_198 : vector<16xi32> to vector<16xf32>
      %parallel_loop3A_210 = arith.constant 5.000000e-01 : f32
      %parallel_loop3A_211 = vector.broadcast %parallel_loop3A_210 : f32 to vector<16xf32>
      %parallel_loop3A_212 = arith.addf %parallel_loop3A_209, %parallel_loop3A_211 : vector<16xf32>
      %parallel_loop3A_213 = arith.constant 7 : i32
      %parallel_loop3A_214 = vector.broadcast %parallel_loop3A_213 : i32 to vector<16xi32>
      %parallel_loop3A_215 = arith.shrui %parallel_loop3A_198, %parallel_loop3A_214 : vector<16xi32>
      %parallel_loop3A_216 = arith.constant 2 : i32
      %parallel_loop3A_217 = vector.broadcast %parallel_loop3A_216 : i32 to vector<16xi32>
      %parallel_loop3A_218 = arith.muli %parallel_loop3A_217, %parallel_loop3A_215 : vector<16xi32>
      %parallel_loop3A_219 = arith.constant 127 : i32
      %parallel_loop3A_220 = vector.broadcast %parallel_loop3A_219 : i32 to vector<16xi32>
      %parallel_loop3A_221 = arith.andi %parallel_loop3A_198, %parallel_loop3A_220 : vector<16xi32>
      %parallel_loop3A_222 = arith.constant 6.250000e-02 : f32
      %parallel_loop3A_223 = vector.broadcast %parallel_loop3A_222 : f32 to vector<16xf32>
      %parallel_loop3A_224 = arith.mulf %parallel_loop3A_175, %parallel_loop3A_223 : vector<16xf32>
      %parallel_loop3A_225 = arith.subf %parallel_loop3A_224, %parallel_loop3A_212 : vector<16xf32>
      tpu.vector_store_idx %arg13[%parallel_loop3A_218, %parallel_loop3A_221], %parallel_loop3A_225 masked %parallel_loop3A_208 : memref<128x128xf32, #tpu.memory_space<vmem>>[vector<16xi32>, vector<16xi32>], vector<16xf32>, vector<16xi1>
      %parallel_loop3A_226 = arith.constant 1 : i32
      %parallel_loop3A_227 = vector.broadcast %parallel_loop3A_226 : i32 to vector<16xi32>
      %parallel_loop3A_228 = arith.addi %parallel_loop3A_218, %parallel_loop3A_227 : vector<16xi32>
      %parallel_loop3A_229 = arith.constant 6.250000e-02 : f32
      %parallel_loop3A_230 = vector.broadcast %parallel_loop3A_229 : f32 to vector<16xf32>
      %parallel_loop3A_231 = arith.mulf %parallel_loop3A_179, %parallel_loop3A_230 : vector<16xf32>
      %parallel_loop3A_232 = arith.subf %parallel_loop3A_231, %parallel_loop3A_212 : vector<16xf32>
      tpu.vector_store_idx %arg13[%parallel_loop3A_228, %parallel_loop3A_221], %parallel_loop3A_232 masked %parallel_loop3A_208 : memref<128x128xf32, #tpu.memory_space<vmem>>[vector<16xi32>, vector<16xi32>], vector<16xf32>, vector<16xi1>
      %parallel_loop3A_233 = arith.constant 1.000000e+00 : f32
      %parallel_loop3A_234 = arith.constant 0.000000e+00 : f32
      %parallel_loop3A_235 = vector.broadcast %parallel_loop3A_233 : f32 to vector<16xf32>
      %parallel_loop3A_236 = vector.broadcast %parallel_loop3A_234 : f32 to vector<16xf32>
      %parallel_loop3A_237 = arith.select %parallel_loop3A_208, %parallel_loop3A_235, %parallel_loop3A_236 : vector<16xi1>, vector<16xf32>
      %parallel_loop3A_238 = arith.addf %parallel_loop3A_167, %parallel_loop3A_237 : vector<16xf32>
      scf.yield %parallel_loop3A_238 : vector<16xf32>
    } {sc.loop_unroll_factor = 2 : i64, sc.parallel_access}
    %dma_start3A_87 = arith.constant 0 : i32
    %dma_start3A_88 = tpu.memref_slice %arg3[%add3A_73, %dma_start3A_87] : memref<64x8192xf32, #tpu.memory_space<hbm>> -> memref<1x8192xf32, #tpu.memory_space<hbm>>
    %dma_start3A_89 = tpu.memref_squeeze %dma_start3A_88 : memref<1x8192xf32, #tpu.memory_space<hbm>> -> memref<8192xf32, #tpu.memory_space<hbm>>
    %dma_start3A_90 = arith.constant 0 : i32
    %dma_start3A_91 = tpu.memref_slice %arg3[%add3A_73, %dma_start3A_90] : memref<64x8192xf32, #tpu.memory_space<hbm>> -> memref<1x8192xf32, #tpu.memory_space<hbm>>
    %dma_start3A_92 = tpu.memref_squeeze %dma_start3A_91 : memref<1x8192xf32, #tpu.memory_space<hbm>> -> memref<8192xf32, #tpu.memory_space<hbm>>
    tpu.enqueue_dma source(%arg11 : memref<8192xf32, #tpu.memory_space<vmem>>) target(%dma_start3A_92 : memref<8192xf32, #tpu.memory_space<hbm>>) target_semaphore(%arg21 : memref<!tpu.dma_semaphore, #tpu.memory_space<semaphore_mem>>)
    %dma_start3A_93 = arith.constant 0 : i32
    %dma_start3A_94 = arith.constant 0 : i32
    %dma_start3A_95 = tpu.memref_slice %arg4[%add3A_73, %dma_start3A_93, %dma_start3A_94] : memref<64x128x128xf32, #tpu.memory_space<hbm>> -> memref<1x128x128xf32, #tpu.memory_space<hbm>>
    %dma_start3A_96 = tpu.memref_squeeze %dma_start3A_95 : memref<1x128x128xf32, #tpu.memory_space<hbm>> -> memref<128x128xf32, #tpu.memory_space<hbm>>
    %dma_start3A_97 = arith.constant 0 : i32
    %dma_start3A_98 = arith.constant 0 : i32
    %dma_start3A_99 = tpu.memref_slice %arg4[%add3A_73, %dma_start3A_97, %dma_start3A_98] : memref<64x128x128xf32, #tpu.memory_space<hbm>> -> memref<1x128x128xf32, #tpu.memory_space<hbm>>
    %dma_start3A_100 = tpu.memref_squeeze %dma_start3A_99 : memref<1x128x128xf32, #tpu.memory_space<hbm>> -> memref<128x128xf32, #tpu.memory_space<hbm>>
    tpu.enqueue_dma source(%arg13 : memref<128x128xf32, #tpu.memory_space<vmem>>) target(%dma_start3A_100 : memref<128x128xf32, #tpu.memory_space<hbm>>) target_semaphore(%arg21 : memref<!tpu.dma_semaphore, #tpu.memory_space<semaphore_mem>>)
    %dma_start3A_101 = arith.constant 0 : i32
    %dma_start3A_102 = tpu.memref_slice %arg5[%add3A_73, %dma_start3A_101] : memref<64x8192xf32, #tpu.memory_space<hbm>> -> memref<1x8192xf32, #tpu.memory_space<hbm>>
    %dma_start3A_103 = tpu.memref_squeeze %dma_start3A_102 : memref<1x8192xf32, #tpu.memory_space<hbm>> -> memref<8192xf32, #tpu.memory_space<hbm>>
    %dma_start3A_104 = arith.constant 0 : i32
    %dma_start3A_105 = tpu.memref_slice %arg5[%add3A_73, %dma_start3A_104] : memref<64x8192xf32, #tpu.memory_space<hbm>> -> memref<1x8192xf32, #tpu.memory_space<hbm>>
    %dma_start3A_106 = tpu.memref_squeeze %dma_start3A_105 : memref<1x8192xf32, #tpu.memory_space<hbm>> -> memref<8192xf32, #tpu.memory_space<hbm>>
    tpu.enqueue_dma source(%arg15 : memref<8192xf32, #tpu.memory_space<vmem>>) target(%dma_start3A_106 : memref<8192xf32, #tpu.memory_space<hbm>>) target_semaphore(%arg21 : memref<!tpu.dma_semaphore, #tpu.memory_space<semaphore_mem>>)
    %dma_start3A_107 = arith.constant 0 : i32
    %dma_start3A_108 = tpu.memref_slice %arg6[%add3A_73, %dma_start3A_107] : memref<64x8192xf32, #tpu.memory_space<hbm>> -> memref<1x8192xf32, #tpu.memory_space<hbm>>
    %dma_start3A_109 = tpu.memref_squeeze %dma_start3A_108 : memref<1x8192xf32, #tpu.memory_space<hbm>> -> memref<8192xf32, #tpu.memory_space<hbm>>
    %dma_start3A_110 = arith.constant 0 : i32
    %dma_start3A_111 = tpu.memref_slice %arg6[%add3A_73, %dma_start3A_110] : memref<64x8192xf32, #tpu.memory_space<hbm>> -> memref<1x8192xf32, #tpu.memory_space<hbm>>
    %dma_start3A_112 = tpu.memref_squeeze %dma_start3A_111 : memref<1x8192xf32, #tpu.memory_space<hbm>> -> memref<8192xf32, #tpu.memory_space<hbm>>
    tpu.enqueue_dma source(%arg17 : memref<8192xf32, #tpu.memory_space<vmem>>) target(%dma_start3A_112 : memref<8192xf32, #tpu.memory_space<hbm>>) target_semaphore(%arg21 : memref<!tpu.dma_semaphore, #tpu.memory_space<semaphore_mem>>)
    %swap3A = arith.constant 0 : index
    %swap3A_113 = tpu.vector_load %arg18[%swap3A] {strides = array<i32>} : memref<16xf32, #tpu.memory_space<vmem>>, vector<16xf32>,
    tpu.vector_store %arg18[%swap3A], %parallel_loop3A_86 {strides = array<i32>} : memref<16xf32, #tpu.memory_space<vmem>>, vector<16xf32>,
    %dma_wait3A_114 = arith.constant 0 : i32
    %dma_wait3A_115 = tpu.memref_slice %arg3[%add3A_32, %dma_wait3A_114] : memref<64x8192xf32, #tpu.memory_space<hbm>> -> memref<1x8192xf32, #tpu.memory_space<hbm>>
    %dma_wait3A_116 = tpu.memref_squeeze %dma_wait3A_115 : memref<1x8192xf32, #tpu.memory_space<hbm>> -> memref<8192xf32, #tpu.memory_space<hbm>>
    %dma_wait3A_117 = arith.constant 0 : i32
    %dma_wait3A_118 = tpu.memref_slice %arg3[%add3A_32, %dma_wait3A_117] : memref<64x8192xf32, #tpu.memory_space<hbm>> -> memref<1x8192xf32, #tpu.memory_space<hbm>>
    %dma_wait3A_119 = tpu.memref_squeeze %dma_wait3A_118 : memref<1x8192xf32, #tpu.memory_space<hbm>> -> memref<8192xf32, #tpu.memory_space<hbm>>
    tpu.wait_dma2 semaphore(%arg21 : memref<!tpu.dma_semaphore, #tpu.memory_space<semaphore_mem>>) src(%arg10 : memref<8192xf32, #tpu.memory_space<vmem>>) dst(%dma_wait3A_119 : memref<8192xf32, #tpu.memory_space<hbm>>)
    %dma_wait3A_120 = arith.constant 0 : i32
    %dma_wait3A_121 = arith.constant 0 : i32
    %dma_wait3A_122 = tpu.memref_slice %arg4[%add3A_32, %dma_wait3A_120, %dma_wait3A_121] : memref<64x128x128xf32, #tpu.memory_space<hbm>> -> memref<1x128x128xf32, #tpu.memory_space<hbm>>
    %dma_wait3A_123 = tpu.memref_squeeze %dma_wait3A_122 : memref<1x128x128xf32, #tpu.memory_space<hbm>> -> memref<128x128xf32, #tpu.memory_space<hbm>>
    %dma_wait3A_124 = arith.constant 0 : i32
    %dma_wait3A_125 = arith.constant 0 : i32
    %dma_wait3A_126 = tpu.memref_slice %arg4[%add3A_32, %dma_wait3A_124, %dma_wait3A_125] : memref<64x128x128xf32, #tpu.memory_space<hbm>> -> memref<1x128x128xf32, #tpu.memory_space<hbm>>
    %dma_wait3A_127 = tpu.memref_squeeze %dma_wait3A_126 : memref<1x128x128xf32, #tpu.memory_space<hbm>> -> memref<128x128xf32, #tpu.memory_space<hbm>>
    tpu.wait_dma2 semaphore(%arg21 : memref<!tpu.dma_semaphore, #tpu.memory_space<semaphore_mem>>) src(%arg12 : memref<128x128xf32, #tpu.memory_space<vmem>>) dst(%dma_wait3A_127 : memref<128x128xf32, #tpu.memory_space<hbm>>)
    %dma_wait3A_128 = arith.constant 0 : i32
    %dma_wait3A_129 = tpu.memref_slice %arg5[%add3A_32, %dma_wait3A_128] : memref<64x8192xf32, #tpu.memory_space<hbm>> -> memref<1x8192xf32, #tpu.memory_space<hbm>>
    %dma_wait3A_130 = tpu.memref_squeeze %dma_wait3A_129 : memref<1x8192xf32, #tpu.memory_space<hbm>> -> memref<8192xf32, #tpu.memory_space<hbm>>
    %dma_wait3A_131 = arith.constant 0 : i32
    %dma_wait3A_132 = tpu.memref_slice %arg5[%add3A_32, %dma_wait3A_131] : memref<64x8192xf32, #tpu.memory_space<hbm>> -> memref<1x8192xf32, #tpu.memory_space<hbm>>
    %dma_wait3A_133 = tpu.memref_squeeze %dma_wait3A_132 : memref<1x8192xf32, #tpu.memory_space<hbm>> -> memref<8192xf32, #tpu.memory_space<hbm>>
    tpu.wait_dma2 semaphore(%arg21 : memref<!tpu.dma_semaphore, #tpu.memory_space<semaphore_mem>>) src(%arg14 : memref<8192xf32, #tpu.memory_space<vmem>>) dst(%dma_wait3A_133 : memref<8192xf32, #tpu.memory_space<hbm>>)
    %dma_wait3A_134 = arith.constant 0 : i32
    %dma_wait3A_135 = tpu.memref_slice %arg6[%add3A_32, %dma_wait3A_134] : memref<64x8192xf32, #tpu.memory_space<hbm>> -> memref<1x8192xf32, #tpu.memory_space<hbm>>
    %dma_wait3A_136 = tpu.memref_squeeze %dma_wait3A_135 : memref<1x8192xf32, #tpu.memory_space<hbm>> -> memref<8192xf32, #tpu.memory_space<hbm>>
    %dma_wait3A_137 = arith.constant 0 : i32
    %dma_wait3A_138 = tpu.memref_slice %arg6[%add3A_32, %dma_wait3A_137] : memref<64x8192xf32, #tpu.memory_space<hbm>> -> memref<1x8192xf32, #tpu.memory_space<hbm>>
    %dma_wait3A_139 = tpu.memref_squeeze %dma_wait3A_138 : memref<1x8192xf32, #tpu.memory_space<hbm>> -> memref<8192xf32, #tpu.memory_space<hbm>>
    tpu.wait_dma2 semaphore(%arg21 : memref<!tpu.dma_semaphore, #tpu.memory_space<semaphore_mem>>) src(%arg16 : memref<8192xf32, #tpu.memory_space<vmem>>) dst(%dma_wait3A_139 : memref<8192xf32, #tpu.memory_space<hbm>>)
    %dma_wait3A_140 = arith.constant 0 : i32
    %dma_wait3A_141 = tpu.memref_slice %arg3[%add3A_73, %dma_wait3A_140] : memref<64x8192xf32, #tpu.memory_space<hbm>> -> memref<1x8192xf32, #tpu.memory_space<hbm>>
    %dma_wait3A_142 = tpu.memref_squeeze %dma_wait3A_141 : memref<1x8192xf32, #tpu.memory_space<hbm>> -> memref<8192xf32, #tpu.memory_space<hbm>>
    %dma_wait3A_143 = arith.constant 0 : i32
    %dma_wait3A_144 = tpu.memref_slice %arg3[%add3A_73, %dma_wait3A_143] : memref<64x8192xf32, #tpu.memory_space<hbm>> -> memref<1x8192xf32, #tpu.memory_space<hbm>>
    %dma_wait3A_145 = tpu.memref_squeeze %dma_wait3A_144 : memref<1x8192xf32, #tpu.memory_space<hbm>> -> memref<8192xf32, #tpu.memory_space<hbm>>
    tpu.wait_dma2 semaphore(%arg21 : memref<!tpu.dma_semaphore, #tpu.memory_space<semaphore_mem>>) src(%arg11 : memref<8192xf32, #tpu.memory_space<vmem>>) dst(%dma_wait3A_145 : memref<8192xf32, #tpu.memory_space<hbm>>)
    %dma_wait3A_146 = arith.constant 0 : i32
    %dma_wait3A_147 = arith.constant 0 : i32
    %dma_wait3A_148 = tpu.memref_slice %arg4[%add3A_73, %dma_wait3A_146, %dma_wait3A_147] : memref<64x128x128xf32, #tpu.memory_space<hbm>> -> memref<1x128x128xf32, #tpu.memory_space<hbm>>
    %dma_wait3A_149 = tpu.memref_squeeze %dma_wait3A_148 : memref<1x128x128xf32, #tpu.memory_space<hbm>> -> memref<128x128xf32, #tpu.memory_space<hbm>>
    %dma_wait3A_150 = arith.constant 0 : i32
    %dma_wait3A_151 = arith.constant 0 : i32
    %dma_wait3A_152 = tpu.memref_slice %arg4[%add3A_73, %dma_wait3A_150, %dma_wait3A_151] : memref<64x128x128xf32, #tpu.memory_space<hbm>> -> memref<1x128x128xf32, #tpu.memory_space<hbm>>
    %dma_wait3A_153 = tpu.memref_squeeze %dma_wait3A_152 : memref<1x128x128xf32, #tpu.memory_space<hbm>> -> memref<128x128xf32, #tpu.memory_space<hbm>>
    tpu.wait_dma2 semaphore(%arg21 : memref<!tpu.dma_semaphore, #tpu.memory_space<semaphore_mem>>) src(%arg13 : memref<128x128xf32, #tpu.memory_space<vmem>>) dst(%dma_wait3A_153 : memref<128x128xf32, #tpu.memory_space<hbm>>)
    %dma_wait3A_154 = arith.constant 0 : i32
    %dma_wait3A_155 = tpu.memref_slice %arg5[%add3A_73, %dma_wait3A_154] : memref<64x8192xf32, #tpu.memory_space<hbm>> -> memref<1x8192xf32, #tpu.memory_space<hbm>>
    %dma_wait3A_156 = tpu.memref_squeeze %dma_wait3A_155 : memref<1x8192xf32, #tpu.memory_space<hbm>> -> memref<8192xf32, #tpu.memory_space<hbm>>
    %dma_wait3A_157 = arith.constant 0 : i32
    %dma_wait3A_158 = tpu.memref_slice %arg5[%add3A_73, %dma_wait3A_157] : memref<64x8192xf32, #tpu.memory_space<hbm>> -> memref<1x8192xf32, #tpu.memory_space<hbm>>
    %dma_wait3A_159 = tpu.memref_squeeze %dma_wait3A_158 : memref<1x8192xf32, #tpu.memory_space<hbm>> -> memref<8192xf32, #tpu.memory_space<hbm>>
    tpu.wait_dma2 semaphore(%arg21 : memref<!tpu.dma_semaphore, #tpu.memory_space<semaphore_mem>>) src(%arg15 : memref<8192xf32, #tpu.memory_space<vmem>>) dst(%dma_wait3A_159 : memref<8192xf32, #tpu.memory_space<hbm>>)
    %dma_wait3A_160 = arith.constant 0 : i32
    %dma_wait3A_161 = tpu.memref_slice %arg6[%add3A_73, %dma_wait3A_160] : memref<64x8192xf32, #tpu.memory_space<hbm>> -> memref<1x8192xf32, #tpu.memory_space<hbm>>
    %dma_wait3A_162 = tpu.memref_squeeze %dma_wait3A_161 : memref<1x8192xf32, #tpu.memory_space<hbm>> -> memref<8192xf32, #tpu.memory_space<hbm>>
    %dma_wait3A_163 = arith.constant 0 : i32
    %dma_wait3A_164 = tpu.memref_slice %arg6[%add3A_73, %dma_wait3A_163] : memref<64x8192xf32, #tpu.memory_space<hbm>> -> memref<1x8192xf32, #tpu.memory_space<hbm>>
    %dma_wait3A_165 = tpu.memref_squeeze %dma_wait3A_164 : memref<1x8192xf32, #tpu.memory_space<hbm>> -> memref<8192xf32, #tpu.memory_space<hbm>>
    tpu.wait_dma2 semaphore(%arg21 : memref<!tpu.dma_semaphore, #tpu.memory_space<semaphore_mem>>) src(%arg17 : memref<8192xf32, #tpu.memory_space<vmem>>) dst(%dma_wait3A_165 : memref<8192xf32, #tpu.memory_space<hbm>>)
    "tpu.region"() ({
      %run_scoped3A = tpu.sem_alloc : memref<!tpu.dma_semaphore, #tpu.memory_space<semaphore_mem>>
      %dma_start3A_166 = arith.constant 0 : i32
      %dma_start3A_167 = tpu.memref_slice %arg7[%add3A, %dma_start3A_166] : memref<32x16xf32, #tpu.memory_space<hbm>> -> memref<1x16xf32, #tpu.memory_space<hbm>>
      %dma_start3A_168 = tpu.memref_squeeze %dma_start3A_167 : memref<1x16xf32, #tpu.memory_space<hbm>> -> memref<16xf32, #tpu.memory_space<hbm>>
      %dma_start3A_169 = arith.constant 0 : i32
      %dma_start3A_170 = tpu.memref_slice %arg7[%add3A, %dma_start3A_169] : memref<32x16xf32, #tpu.memory_space<hbm>> -> memref<1x16xf32, #tpu.memory_space<hbm>>
      %dma_start3A_171 = tpu.memref_squeeze %dma_start3A_170 : memref<1x16xf32, #tpu.memory_space<hbm>> -> memref<16xf32, #tpu.memory_space<hbm>>
      tpu.enqueue_dma source(%arg18 : memref<16xf32, #tpu.memory_space<vmem>>) target(%dma_start3A_171 : memref<16xf32, #tpu.memory_space<hbm>>) target_semaphore(%run_scoped3A : memref<!tpu.dma_semaphore, #tpu.memory_space<semaphore_mem>>)
      %dma_wait3A_172 = arith.constant 0 : i32
      %dma_wait3A_173 = tpu.memref_slice %arg7[%add3A, %dma_wait3A_172] : memref<32x16xf32, #tpu.memory_space<hbm>> -> memref<1x16xf32, #tpu.memory_space<hbm>>
      %dma_wait3A_174 = tpu.memref_squeeze %dma_wait3A_173 : memref<1x16xf32, #tpu.memory_space<hbm>> -> memref<16xf32, #tpu.memory_space<hbm>>
      %dma_wait3A_175 = arith.constant 0 : i32
      %dma_wait3A_176 = tpu.memref_slice %arg7[%add3A, %dma_wait3A_175] : memref<32x16xf32, #tpu.memory_space<hbm>> -> memref<1x16xf32, #tpu.memory_space<hbm>>
      %dma_wait3A_177 = tpu.memref_squeeze %dma_wait3A_176 : memref<1x16xf32, #tpu.memory_space<hbm>> -> memref<16xf32, #tpu.memory_space<hbm>>
      tpu.wait_dma2 semaphore(%run_scoped3A : memref<!tpu.dma_semaphore, #tpu.memory_space<semaphore_mem>>) src(%arg18 : memref<16xf32, #tpu.memory_space<vmem>>) dst(%dma_wait3A_177 : memref<16xf32, #tpu.memory_space<hbm>>)
      tpu.yield
    }) : () -> ()
    return
  }
}

</mosaic_0001>

<sc_bundles>
// kernel: kernel.3.cloned.1.call-start
scs
__scs_entry_jumppad:
0x0: {  	(pc) =	sbr.rel $0x88, $3  }
0x1: {  	(tag) =	ssettag $0x0;
	lr =	simm.s32 $0x1  }
0x2: {  	[smem:$0x3F9F] =	sst lr;
	_ =	strace $0xD0000000  }
0x3: {  	_ = 	snop  }
0x4: {  	_ = 	snop  }
0x5: {  	_ = 	snop  }
0x6: {  	_ = 	snop  }
0x7: {  	_ = 	snop  }
__scs_overlays_trampoline_lowered:
0x8: {  	[smem:$0x3FAE] =	sst s0  }
0x9: {  	[smem:$0x3FAF] =	sst s1  }
0xa: {  	[smem:$0x3FB0] =	sst s2  }
0xb: {  	[smem:$0x3FB1] =	sst s3  }
0xc: {  	[smem:$0x3FB2] =	sst s4  }
0xd: {  	[smem:$0x3FB3] =	sst s5  }
0xe: {  	[smem:$0x3FB4] =	sst s6  }
0xf: {  	[smem:$0x3FB5] =	sst s7  }
0x10: {  	[smem:$0x3FB6] =	sst s8  }
0x11: {  	[smem:$0x3FB7] =	sst s9;
	s0 =	simm.s32 @!p0 $0x0  }
0x12: {  	s1 =	sld [smem:$0x3F9D];
	s0 =	simm.s32 @p0 $0x1  }
0x13: {  	[smem:$0x3FB8] =	sst s0;
	s0 =	simm.s32 @!p1 $0x0  }
0x14: {  	s2 =	sld [smem:$0x3F9C];
	s0 =	simm.s32 @p1 $0x1  }
0x15: {  	[smem:$0x3FB9] =	sst s0;
	s0 =	simm.s32 @!p2 $0x0  }
0x16: {  	s3 =	sld [smem:$0x3FDB];
	s0 =	simm.s32 @p2 $0x1  }
0x17: {  	s4 =	simm.s32 $0x1BF5;
	[smem:$0x3FBB] =	sst s0  }
0x18: {  	s0 =	sld [smem:$0x3F9E];
	_ =	swait.ge [sflag:s4], $0x0  }
0x19: {  	s7 =	sld [smem:$0x3F9F]  }
0x1a: {  	s8 =	sadd.s32 $0xFFFFE003, lr  }
0x1b: {  	s9 =	sadd.s32 $0xFFFFFEF7, lr;
	s5 =	simm.s32 $0xFFFFFFFF;
	p2 =	slt.u32 s8, $0xFFFFF086  }
0x1c: {  	p1 =	slt.u32 s9, $0xF7A;
	s5 =	simm.s32 @!p2 $0x0  }
0x1d: {  	s5 =	simm.s32 @p1 $0x1;
	p0 =	seq.s32 s7, s2  }
0x1e: {  	s7 =	smul.u32 @!p0 $0xF7A, s2;
	p2 =	seq.s32 @!p0 s5, $0x0  }
0x1f: {  	s9 =	smul.u32 $0xF7A, s1;
	s8 =	simm.s32 @!p0 $0x1BF5;
	p2 =	por !p2, p0  }
0x20: {  	[sflag:s8] =	ssyncset.s32 @!p0 $0xFFFFF086;
	s6 =	sadd.s32 @!p0 s3, s7;
	s7 =	simm.s32 @!p0 $0x108  }
0x21: {  	s3 =	sadd.s32 s3, s9;
	s6 =	sadd.s32 @!p0 $0x88, s6;
	s7 =	simm.s32 @p2 $0x1082  }
0x22: {  	[simem:s7], [sflag:s8] =	dma.local @!p0 [hbm:s6], $0xF7A  }
0x23: {  	s9 =	sor.u32 $0xD0000000, s2;
	s6 =	simm.s32 $0x108;
	_ =	swait.ge @!p0 [sflag:s8], $0x0  }
0x24: {  	s3 =	sadd.s32 $0x88, s3;
	s6 =	simm.s32 @!p1 $0x1082;
	[sflag:s4] =	ssyncset.s32 $0xFFFFF086  }
0x25: {  	[simem:s6], [sflag:s4] =	dma.local [hbm:s3], $0xF7A  }
0x26: {  	[smem:$0x3F9F] =	sst s1;
	(tag) =	ssettag s2;
	_ =	strace s9  }
0x27: {  	s1 =	sld [smem:$0x3FAF]  }
0x28: {  	s2 =	sld [smem:$0x3FB0]  }
0x29: {  	s4 =	sld [smem:$0x3FB2]  }
0x2a: {  	p0 =	seq.s32 s5, $0x0;
	s5 =	sld [smem:$0x3FB3]  }
0x2b: {  	s6 =	sld [smem:$0x3FB4]  }
0x2c: {  	s7 =	sld [smem:$0x3FB5]  }
0x2d: {  	s3 =	simm.s32 $0x108;
	s8 =	sld [smem:$0x3FB6]  }
0x2e: {  	s3 =	simm.s32 @!p0 $0x1082;
	s9 =	sld [smem:$0x3FB7]  }
0x2f: {  	lr =	sadd.s32 s0, s3;
	s0 =	sld [smem:$0x3FAE]  }
0x30: {  	s3 =	sld [smem:$0x3FB1]  }
0x31: {  	[smem:$0x3FBA] =	sst s10  }
0x32: {  	s10 =	sld [smem:$0x3FB8];
	_ =	sdelay $0x3  }
0x33: {  	p0 =	seq.s32 s10, $0x1;
	s10 =	sld [smem:$0x3FBA];
	_ =	sdelay $0x3  }
0x34: {  	[smem:$0x3FBA] =	sst s10  }
0x35: {  	s10 =	sld [smem:$0x3FB9];
	_ =	sdelay $0x3  }
0x36: {  	p1 =	seq.s32 s10, $0x1;
	s10 =	sld [smem:$0x3FBA];
	_ =	sdelay $0x3  }
0x37: {  	[smem:$0x3FBA] =	sst s10  }
0x38: {  	s10 =	sld [smem:$0x3FBB]  }
0x39: {  	_ = 	snop;
	(pc) =	sbr.ind lr, $3  }
0x3a: {  	_ = 	snop  }
0x3b: {  	_ = 	snop  }
0x3c: {  	p2 =	seq.s32 s10, $0x1;
	s10 =	sld [smem:$0x3FBA]  }
0x3d: {  	_ =	shalt  }
0x3e: {  	_ =	shalt  }
0x3f: {  	_ =	shalt  }
0x40: {  	_ =	shalt  }
0x41: {  	_ =	shalt  }
0x42: {  	_ =	shalt  }
0x43: {  	_ =	shalt  }
0x44: {  	_ =	shalt  }
0x45: {  	_ =	shalt  }
0x46: {  	_ =	shalt  }
0x47: {  	_ =	shalt  }
0x48: {  	_ =	shalt  }
0x49: {  	_ =	shalt  }
0x4a: {  	_ =	shalt  }
0x4b: {  	_ =	shalt  }
0x4c: {  	_ =	shalt  }
0x4d: {  	_ =	shalt  }
0x4e: {  	_ =	shalt  }
0x4f: {  	_ =	shalt  }
0x50: {  	_ =	shalt  }
0x51: {  	_ =	shalt  }
0x52: {  	_ =	shalt  }
0x53: {  	_ =	shalt  }
0x54: {  	_ =	shalt  }
0x55: {  	_ =	shalt  }
0x56: {  	_ =	shalt  }
0x57: {  	_ =	shalt  }
0x58: {  	_ =	shalt  }
0x59: {  	_ =	shalt  }
0x5a: {  	_ =	shalt  }
0x5b: {  	_ =	shalt  }
0x5c: {  	_ =	shalt  }
0x5d: {  	_ =	shalt  }
0x5e: {  	_ =	shalt  }
0x5f: {  	_ =	shalt  }
0x60: {  	_ =	shalt  }
0x61: {  	_ =	shalt  }
0x62: {  	_ =	shalt  }
0x63: {  	_ =	shalt  }
0x64: {  	_ =	shalt  }
0x65: {  	_ =	shalt  }
0x66: {  	_ =	shalt  }
0x67: {  	_ =	shalt  }
0x68: {  	_ =	shalt  }
0x69: {  	_ =	shalt  }
0x6a: {  	_ =	shalt  }
0x6b: {  	_ =	shalt  }
0x6c: {  	_ =	shalt  }
0x6d: {  	_ =	shalt  }
0x6e: {  	_ =	shalt  }
0x6f: {  	_ =	shalt  }
0x70: {  	_ =	shalt  }
0x71: {  	_ =	shalt  }
0x72: {  	_ =	shalt  }
0x73: {  	_ =	shalt  }
0x74: {  	_ =	shalt  }
0x75: {  	_ =	shalt  }
0x76: {  	_ =	shalt  }
0x77: {  	_ =	shalt  }
0x78: {  	_ =	shalt  }
0x79: {  	_ =	shalt  }
0x7a: {  	_ =	shalt  }
0x7b: {  	_ =	shalt  }
0x7c: {  	_ =	shalt  }
0x7d: {  	_ =	shalt  }
0x7e: {  	_ =	shalt  }
0x7f: {  	_ =	shalt  }
0x80: {  	_ =	shalt  }
0x81: {  	_ =	shalt  }
0x82: {  	_ =	shalt  }
0x83: {  	_ =	shalt  }
0x84: {  	_ =	shalt  }
0x85: {  	_ =	shalt  }
0x86: {  	_ =	shalt  }
0x87: {  	_ =	shalt  }
.Lfunc_end0:
.L_simem_size_0:
called_computation_lowered:
.L_overlay_start_0:
0x88: {  	s2 =	sld [smem:$0x3FD9]  }
0x89: {  	s3 =	sld [smem:$0x3FFE];
	_ =	sdelay $0x1  }
0x8a: {  	s1 =	srdreg.scid  }
0x8b: {  	s0 =	sand.u32 $0x1, s1  }
0x8c: {  	s14 =	sshll.u32 s0, $0xA;
	s2 =	sadd.s32 s3, s2  }
0x8d: {  	s2 =	sadd.s32 s2, s14  }
0x8e: {  	[smem:$0x3FC6] =	sst s2  }
0x8f: {  	_ = 	snop  }
0x90: {  	s2 =	sld [smem:$0x3FD0];
	_ =	sdelay $0x2  }
0x91: {  	s15 =	simm.s32 $0xA;
	s4 =	simm.s32 $0x10  }
0x92: {  	[smem:s4], [sflag:s15] =	dma.local [hbm:s2], $0x1  }
0x93: {  	_ =	swait.eq [sflag:s15], $0x1  }
0x94: {  	s16 =	sld [smem:$0x10]  }
0x95: {  	s17 =	sld [smem:$0x11];
	[sflag:s15] =	ssyncset.done $0x0  }
0x96: {  	s5 =	sld [smem:$0x12];
	[sflag:s15] =	ssyncadd.s32 $0xFFFFFFFF  }
0x97: {  	s18 =	sld [smem:$0x13];
	(tm) =	ssettm $0x1  }
0x98: {  	s6 =	sld [smem:$0x3FFB];
	_ =	sdelay $0x3  }
0x99: {  	_ =	strace s6  }
0x9a: {  	s6 =	sld [smem:$0x3FFC];
	_ =	sdelay $0x3  }
0x9b: {  	_ =	strace s6  }
0x9c: {  	s6 =	sld [smem:$0x3FFD];
	_ =	sdelay $0x3  }
0x9d: {  	_ =	strace s6  }
0x9e: {  	_ =	strace $0x8FFFFFFF  }
0x9f: {  	s19 =	sld [smem:$0x3FDB];
	_ =	sdelay $0x1  }
0xa0: {  	s7 =	simm.s32 $_scs_section_size  }
0xa1: {  	s8 =	simm.s32 $_size__tile_overlayer_lowered;
	s9 =	simm.s32 $_tile_overlayer_lowered  }
0xa2: {  	s22 =	simm.s32 $0x1BFF;
	s21 =	sshll.u32 s9, $0x1;
	s6 =	sadd.s32 s7, s19  }
0xa3: {  	s10 =	simm.s32 $0x0;
	s20 =	sshll.u32 s8, $0x1;
	s8 =	sadd.s32 s21, s6  }
0xa4: {  	[timem:s10], [sflag:s22] =	dma.local [hbm:s8], s20  }
0xa5: {  	_ =	swait.ge [sflag:s22], s20  }
0xa6: {  	s7 =	ssub.s32 $0x0, s20;
	[sflag:s22] =	ssyncset.done $0x0  }
0xa7: {  	[sflag:s22] =	ssyncadd.s32 s7;
	_ =	sdelay $0x1  }
0xa8: {  	s23 =	simm.s32 $0x1B8B  }
0xa9: {  	_ =	swait.ge [sflag:s23], $0x1  }
0xaa: {  	[sflag:s23] =	ssyncset.done $0x0  }
0xab: {  	s25 =	simm.s32 $0x1B8E;
	s24 =	sld [smem:$0x3FFE];
	[sflag:s23] =	ssyncadd.s32 $0xFFFFFFFF  }
0xac: {  	s26 =	simm.s32 $execute0_lowered;
	[smem:$0x3FD2] =	sst s25  }
0xad: {  	s8 =	sshll.u32 s26, $0x1;
	_ =	strace $0x80000046;
	[dreg:$0x1] =	wrdreg $0xFFFFFFFF  }
0xae: {  	s28 =	simm.s32 $_size_execute0_lowered;
	s6 =	sadd.s32 s6, s8;
	[dreg:$0x0] =	wrdreg $0x0  }
0xaf: {  	s8 =	sshll.u32 s28, $0x1;
	[dreg:$0x2] =	wrdreg s6  }
0xb0: {  	[dreg:$0x3] =	wrdreg s8  }
0xb1: {  	[dreg:$0x4] =	wrdreg $0xC0  }
0xb2: {  	_ =	task [dreg:s10], $0x5FFFF  }
0xb3: {  	[dreg:$0x1] =	wrdreg $0xFFFFFFFF  }
0xb4: {  	[dreg:$0x0] =	wrdreg $0x60  }
0xb5: {  	[dreg:$0x2] =	wrdreg s24  }
0xb6: {  	[dreg:$0x3] =	wrdreg s16  }
0xb7: {  	[dreg:$0x4] =	wrdreg s17  }
0xb8: {  	[dreg:$0x5] =	wrdreg s5  }
0xb9: {  	[dreg:$0x6] =	wrdreg s18  }
0xba: {  	[dreg:$0x7] =	wrdreg $0x9  }
0xbb: {  	_ =	task.clear_ibuf [dreg:s10], $0x8FFFF;
	_ =	strace $0x90000046  }
0xbc: {  	s29 =	simm.s32 $0x9;
	_ =	strace $0x80000048  }
0xbd: {  	_ =	swait.ge [sflag:s29], $0x1  }
0xbe: {  	[sflag:s29] =	ssyncadd.s32 $0xFFFFFFFF  }
0xbf: {  	_ =	strace $0x90000048  }
0xc0: {  	_ =	sfence  }
0xc1: {  	s30 =	sld [smem:$0x0];
	_ =	sdelay $0x2  }
0xc2: {  	s31 =	sshll.u32 s1, $0xD;
	s1 =	sshrl.u32 s1, $0x2  }
0xc3: {  	s3 =	sand.u32 $0x4000, s31;
	s1 =	sadd.s32 s1, s30  }
0xc4: {  	s0 =	sor.u32 s3, s0;
	s1 =	sshll.u32 s1, $0x11  }
0xc5: {  	s0 =	sor.u32 s1, s0  }
0xc6: {  	s0 =	sadd.s32 $0x8F2B, s0  }
0xc7: {  	[sflag:s0] =	ssyncadd.remote.s32 $0x1  }
0xc8: {  	_ =	sfence.sel $0xFFFF  }
0xc9: {  	[dreg:$0x0] =	wrdreg $0xFFFFFFFF;
	(pc) =	sbr.abs _section_cstart, $3  }
0xca: {  	[dreg:$0x1] =	wrdreg $0xFFFFFFFF  }
0xcb: {  	_ =	task.clear_ibuf [dreg:s10], $0x2FFFF;
	_ =	strace $0x9FFFFFFF  }
0xcc: {  	(tm) =	ssettm $0x7FFFFFFF  }
0xcd: {  	_ =	shalt  }
tec
execute0_lowered:
.L_overlay_start_1:
0x0: {  	(tag) =	ssettag $0x1  }
0x1: {  	s0 =	rddreg [dreg:$0x0]  }
0x2: {  	s1 =	rddreg [dreg:$0x1]  }
0x3: {  	s3 =	rddreg [dreg:$0x2]  }
0x4: {  	s4 =	rddreg [dreg:$0x3]  }
0x5: {  	s5 =	rddreg [dreg:$0x4]  }
0x6: {  	s6 =	srdreg.scid;
	s10 =	stileid.u32;
	s2 =	simm.s32 $0x0  }
0x7: {  	s15 =	simm.s32 $0x80;
	s16 =	simm.s32 $0x400;
	s17 =	simm.s32 $0x800  }
0x8: {  	s18 =	simm.s32 $0x1;
	s19 =	simm.s32 $0xD000;
	s28 =	simm.s32 $0x9000  }
0x9: {  	s29 =	simm.s32 $0x3;
	s31 =	simm.s32 $0x4;
	s6 =	sand.u32 $0x1, s6  }
0xa: {  	s7 =	sshll.u32 s10, $0x1;
	[smem:$0x7FF] =	sst s2;
	s9 =	sadd.s32 $0x400, s0  }
0xb: {  	s10 =	sshrl.u32 s10, $0x1;
	s7 =	sor.u32 s6, s7;
	_ =	strace $0x80000047  }
0xc: {  	s6 =	ssub.s32 $0x2, s6;
	s13 =	sshll.u32 s10, $0xE;
	s10 =	sshll.u32 s10, $0x10  }
0xd: {  	s8 =	sshll.u32 s7, $0x4;
	s20 =	sshrl.u32 s6, $0x1;
	s11 =	sshll.u32 s7, $0x8  }
0xe: {  	s12 =	sshllo.u32 s7, $0x1;
	s7 =	sshll.u32 s7, $0xC;
	s0 =	sadd.s32 s8, s0  }
0xf: {  	s11 =	sand.u32 $0x300, s11;
	s14 =	sshll.u32 s12, $0x7;
	s6 =	ssub.s32 s6, s20  }
0x10: {  	s7 =	sadd.s32 s3, s7;
	s30 =	sshll.u32 s12, $0xB;
	s20 =	simm.s32 $0x1000  }
0x11: {  	s21 =	sor.u32 s13, s11;
	s14 =	sand.u32 $0x380, s14;
	s11 =	sor.u32 s10, s11  }
0x12: {  	[dreg:$0x9] =	wrdreg s7;
	s8 =	sshrl.u32 s21, $0x3;
	s13 =	sor.u32 s13, s14  }
0x13: {  	s23 =	sshrl.u32 s11, $0x3;
	s25 =	sor.u32 s10, s14;
	s10 =	sadd.s32 s3, s30  }
0x14: {  	s14 =	smax.u32 s6, $0x1;
	s21 =	simm.s32 $0x11000;
	s8 =	sadd.s32 s9, s8  }
0x15: {  	s22 =	sshrl.u32 s13, $0x3;
	s24 =	sadd.s32 s1, s23;
	s26 =	sadd.s32 s4, s23  }
0x16: {  	s7 =	sshrl.u32 s25, $0x3;
	s13 =	sadd.s32 $0x4400, s0;
	[dreg:$0x6] =	wrdreg s8  }
0x17: {  	s25 =	simm.s32 $0x3000;
	s0 =	simm.s32 $0x0;
	[dreg:$0x8] =	wrdreg s24  }
0x18: {  	s8 =	sadd.s32 s9, s22;
	[dreg:$0xa] =	wrdreg s26;
	s9 =	sadd.s32 s1, s7  }
0x19: {  	v0 =	vimm.f32 $1.000000010e-01;
	v1 =	vlaneseq.u32;
	s11 =	sadd.s32 s4, s7;
	s12 =	sadd.s32 s5, s7;
	s22 =	simm.s32 $0x5000  }
0x1a: {  	v2 =	vimm.f32 $0.0e+00;
	v3 =	vimm.f32 $1.000000000e+00;
	v6 =	vimm.f32 $8.999999760e-01;
	s24 =	simm.s32 $0xF000;
	[dreg:$0x7] =	wrdreg s8;
	s8 =	sadd.s32 s5, s23  }
0x1b: {  	v7 =	vimm.f32 $2.000000000e+00;
	v4 =	vmul.u32 $0x2, v1;
	v5 =	vadd.s32 $0xFFFFFFFF, v1;
	s26 =	simm.s32 $0x13000;
	s23 =	simm.s32 $0x2;
	[dreg:$0xb] =	wrdreg s8  }
.LBB2_1:
0x1c: {  	s1 =	rddreg [dreg:$0x6]  }
0x1d: {  	[tilespmem:s2], [sflag:$0x1] =	stream.strided.gather [hbm4b:s1+s15], $0x800, s16, s15, $0x38;
	[tilespmem:$0x15080] =	vst v63  }
0x1e: {  	s5 =	rddreg [dreg:$0x7];
	s3 =	simm.s32 $0x1040  }
0x1f: {  	[tilespmem:s17], [sflag:$0x2] =	stream.strided.gather [hbm4b:s5+s15], $0x800, s16, s15, $0x38;
	[tilespmem:$0x15080] =	vst v63  }
0x20: {  	[tilespmem:s3+$0x20] =	vst v0  }
0x21: {  	[tilespmem:s3+$0x30] =	vst v0  }
0x22: {  	[tilespmem:s3+$0xFFFFFFD0] =	vst v0  }
0x23: {  	[tilespmem:s3+$0xFFFFFFC0] =	vst v0  }
0x24: {  	[tilespmem:s3+$0xFFFFFFF0] =	vst v0  }
0x25: {  	[tilespmem:s3+$0x0] =	vst v0  }
0x26: {  	[tilespmem:s3+$0xFFFFFFE0] =	vst v0  }
0x27: {  	s1 =	simm.s32 $0xD040;
	[tilespmem:s3+$0x10] =	vst v0  }
0x28: {  	[tilespmem:s1+$0x20] =	vst v2  }
0x29: {  	[tilespmem:s1+$0xFFFFFFD0] =	vst v2  }
0x2a: {  	[tilespmem:s1+$0xFFFFFFC0] =	vst v2  }
0x2b: {  	[tilespmem:s1+$0xFFFFFFF0] =	vst v2  }
0x2c: {  	[tilespmem:s1+$0xFFFFFFE0] =	vst v2  }
0x2d: {  	[tilespmem:s1+$0x10] =	vst v2  }
0x2e: {  	[tilespmem:s1+$0x30] =	vst v2  }
0x2f: {  	s3 =	simm.s32 $0x11040;
	[tilespmem:s1+$0x0] =	vst v2  }
0x30: {  	s4 =	simm.s32 $0x30;
	[tilespmem:s3+$0xFFFFFFE0] =	vst v3  }
0x31: {  	s6 =	simm.s32 $0x0;
	v8 =	vor.u32 s4, v1;
	[tilespmem:s3+$0xFFFFFFF0] =	vst v3  }
0x32: {  	v10 =	vor.u32 s6, v1;
	v8 =	vcvt.s32.f32 v8;
	[tilespmem:s3+$0xFFFFFFC0] =	vst v3  }
0x33: {  	s7 =	simm.s32 $0x50;
	v10 =	vcvt.s32.f32 v10;
	[tilespmem:s3+$0xFFFFFFD0] =	vst v3  }
0x34: {  	v11 =	vor.u32 s7, v1;
	v8 =	vadd.f32 $5.000000000e-01, v8;
	[tilespmem:s3+$0x20] =	vst v3  }
0x35: {  	v11 =	vcvt.s32.f32 v11;
	v10 =	vadd.f32 $5.000000000e-01, v10;
	[tilespmem:s3+$0x10] =	vst v3  }
0x36: {  	s6 =	simm.s32 $0x10;
	v8 =	vsub.f32 $0.0e+00, v8;
	[tilespmem:s3+$0x30] =	vst v3  }
0x37: {  	s4 =	simm.s32 $0x5080;
	v12 =	vor.u32 s6, v1;
	v11 =	vadd.f32 $5.000000000e-01, v11;
	v10 =	vsub.f32 $0.0e+00, v10;
	[tilespmem:s3+$0x0] =	vst v3  }
0x38: {  	s5 =	simm.s32 $0x20;
	v12 =	vcvt.s32.f32 v12;
	[tilespmem:s4+$0xFFFFFFB0] =	vst v8  }
0x39: {  	s8 =	simm.s32 $0x60;
	v9 =	vor.u32 s5, v1;
	v11 =	vsub.f32 $0.0e+00, v11;
	[tilespmem:s4+$0xFFFFFF80] =	vst v10  }
0x3a: {  	v59 =	vor.u32 s8, v1;
	v9 =	vcvt.s32.f32 v9;
	v12 =	vadd.f32 $5.000000000e-01, v12;
	[tilespmem:s4+$0x0] =	vst v10  }
0x3b: {  	v10 =	vcvt.s32.f32 v59;
	[tilespmem:s4+$0xFFFFFFD0] =	vst v11  }
0x3c: {  	s7 =	simm.s32 $0x70;
	v9 =	vadd.f32 $5.000000000e-01, v9;
	v12 =	vsub.f32 $0.0e+00, v12;
	[tilespmem:s4+$0x50] =	vst v11  }
0x3d: {  	v60 =	vor.u32 s7, v1;
	[tilespmem:s4+$0x30] =	vst v8;
	v10 =	vadd.f32 $5.000000000e-01, v10  }
0x3e: {  	s8 =	simm.s32 $0x40;
	v11 =	vcvt.s32.f32 v60;
	v9 =	vsub.f32 $0.0e+00, v9;
	[tilespmem:s4+$0xFFFFFF90] =	vst v12  }
0x3f: {  	v62 =	vor.u32 s8, v1;
	[tilespmem:s4+$0x10] =	vst v12;
	v10 =	vsub.f32 $0.0e+00, v10  }
0x40: {  	v61 =	vadd.f32 $5.000000000e-01, v11;
	v11 =	vcvt.s32.f32 v62;
	[tilespmem:s4+$0xFFFFFFA0] =	vst v9  }
0x41: {  	[tilespmem:s4+$0xFFFFFFE0] =	vst v10  }
0x42: {  	v63 =	vadd.f32 $5.000000000e-01, v11;
	[tilespmem:s4+$0x60] =	vst v10;
	v10 =	vsub.f32 $0.0e+00, v61  }
0x43: {  	[tilespmem:s4+$0x20] =	vst v9  }
0x44: {  	v8 =	vsub.f32 $0.0e+00, v63;
	[tilespmem:s4+$0xFFFFFFF0] =	vst v10  }
0x45: {  	[tilespmem:s4+$0x70] =	vst v10  }
0x46: {  	s30 =	simm.s32 $0x0;
	s6 =	simm.s32 $0x110C0;
	[tilespmem:s4+$0xFFFFFFC0] =	vst v8  }
0x47: {  	s5 =	simm.s32 $0x10C0;
	s3 =	simm.s32 $0x5180;
	[tilespmem:s4+$0x40] =	vst v8;
	s4 =	simm.s32 $0xF0  }
.LBB2_2:
0x48: {  	s7 =	sadd.s32 $0xFFFFFF90, s4;
	[tilespmem:s5+$0x20] =	vst v0;
	s30 =	sadd.s32 $0x8, s30;
	s1 =	sadd.s32 $0x80, s1  }
0x49: {  	v8 =	vor.u32 s7, v1;
	[tilespmem:s5+$0x30] =	vst v0;
	p0 =	slt.u32 s30, $0x1F8;
	s7 =	smov.u32 s3  }
0x4a: {  	s8 =	sadd.s32 $0xFFFFFFA0, s4;
	v8 =	vcvt.s32.f32 v8;
	[tilespmem:s5+$0xFFFFFFD0] =	vst v0  }
0x4b: {  	v9 =	vor.u32 s8, v1;
	[tilespmem:s5+$0xFFFFFFC0] =	vst v0  }
0x4c: {  	s8 =	sadd.s32 $0xFFFFFFB0, s4;
	v9 =	vcvt.s32.f32 v9;
	v8 =	vadd.f32 $5.000000000e-01, v8;
	[tilespmem:s5+$0xFFFFFFF0] =	vst v0  }
0x4d: {  	v10 =	vor.u32 s8, v1;
	[tilespmem:s5+$0x0] =	vst v0  }
0x4e: {  	s8 =	sadd.s32 $0xFFFFFFC0, s4;
	v10 =	vcvt.s32.f32 v10;
	v9 =	vadd.f32 $5.000000000e-01, v9;
	v8 =	vsub.f32 $0.0e+00, v8;
	[tilespmem:s5+$0xFFFFFFE0] =	vst v0  }
0x4f: {  	v11 =	vor.u32 s8, v1;
	[tilespmem:s1+$0x20] =	vst v2  }
0x50: {  	v11 =	vcvt.s32.f32 v11;
	v10 =	vadd.f32 $5.000000000e-01, v10;
	v9 =	vsub.f32 $0.0e+00, v9;
	[tilespmem:s5+$0x10] =	vst v0  }
0x51: {  	[tilespmem:s1+$0xFFFFFFD0] =	vst v2  }
0x52: {  	v11 =	vadd.f32 $5.000000000e-01, v11;
	v10 =	vsub.f32 $0.0e+00, v10;
	[tilespmem:s1+$0xFFFFFFC0] =	vst v2  }
0x53: {  	[tilespmem:s1+$0xFFFFFFF0] =	vst v2  }
0x54: {  	v11 =	vsub.f32 $0.0e+00, v11;
	[tilespmem:s1+$0xFFFFFFE0] =	vst v2  }
0x55: {  	[tilespmem:s6+$0xFFFFFFE0] =	vst v3  }
0x56: {  	[tilespmem:s6+$0xFFFFFFF0] =	vst v3  }
0x57: {  	[tilespmem:s3+$0xFFFFFFB0] =	vst v11  }
0x58: {  	s8 =	sadd.s32 $0xFFFFFFE0, s4;
	[tilespmem:s3+$0xFFFFFFA0] =	vst v10  }
0x59: {  	v12 =	vor.u32 s8, v1;
	[tilespmem:s6+$0xFFFFFFC0] =	vst v3  }
0x5a: {  	s8 =	sadd.s32 $0xFFFFFFF0, s4;
	v12 =	vcvt.s32.f32 v12;
	[tilespmem:s3+$0xFFFFFF80] =	vst v8  }
0x5b: {  	[tilespmem:s3+$0x0] =	vst v8;
	v8 =	vor.u32 s8, v1  }
0x5c: {  	v12 =	vadd.f32 $5.000000000e-01, v12;
	[tilespmem:s6+$0xFFFFFFD0] =	vst v3;
	v8 =	vcvt.s32.f32 v8  }
0x5d: {  	[tilespmem:s6+$0x20] =	vst v3  }
0x5e: {  	v12 =	vsub.f32 $0.0e+00, v12;
	[tilespmem:s1+$0x10] =	vst v2;
	v8 =	vadd.f32 $5.000000000e-01, v8  }
0x5f: {  	[tilespmem:s6+$0x10] =	vst v3  }
0x60: {  	[tilespmem:s3+$0xFFFFFFD0] =	vst v12;
	v8 =	vsub.f32 $0.0e+00, v8  }
0x61: {  	[tilespmem:s3+$0x50] =	vst v12;
	v12 =	vor.u32 s4, v1  }
0x62: {  	[tilespmem:s3+$0xFFFFFFE0] =	vst v8;
	v12 =	vcvt.s32.f32 v12  }
0x63: {  	[tilespmem:s3+$0x60] =	vst v8  }
0x64: {  	[tilespmem:s3+$0xFFFFFF90] =	vst v9;
	v8 =	vadd.f32 $5.000000000e-01, v12  }
0x65: {  	[tilespmem:s3+$0x10] =	vst v9  }
0x66: {  	s8 =	sadd.s32 $0xFFFFFFD0, s4;
	[tilespmem:s1+$0x30] =	vst v2;
	v8 =	vsub.f32 $0.0e+00, v8  }
0x67: {  	v9 =	vor.u32 s8, v1;
	[tilespmem:s6+$0x30] =	vst v3  }
0x68: {  	v9 =	vcvt.s32.f32 v9;
	[tilespmem:s3+$0xFFFFFFF0] =	vst v8  }
0x69: {  	[tilespmem:s3+$0x70] =	vst v8  }
0x6a: {  	v8 =	vadd.f32 $5.000000000e-01, v9;
	[tilespmem:s3+$0x20] =	vst v10  }
.Ltmp0:
0x6b: {  	[tilespmem:s3+$0x30] =	vst v11;
	(pc) =	sbr.rel @p0 .LBB2_2-.Ltmp0, $4  }
0x6c: {  	v8 =	vsub.f32 $0.0e+00, v8;
	[tilespmem:s1+$0x0] =	vst v2  }
0x6d: {  	[tilespmem:s6+$0x0] =	vst v3  }
0x6e: {  	s3 =	sadd.s32 $0x100, s3;
	[tilespmem:s7+$0xFFFFFFC0] =	vst v8  }
0x6f: {  	s5 =	sadd.s32 $0x80, s5;
	s4 =	sadd.s32 $0x80, s4;
	s6 =	sadd.s32 $0x80, s6;
	[tilespmem:s7+$0x40] =	vst v8  }
0x70: {  	s1 =	simm.s32 $0x10  }
0x71: {  	s3 =	simm.s32 $0x0;
	v8 =	vmov s1  }
0x72: {  	v10 =	vmov s3;
	v8 =	vshll.u32 v8, $0x1  }
0x73: {  	v9 =	vadd.s32 s3, v5;
	v11 =	vshll.u32 v10, $0x1;
	v8 =	vor.u32 v4, v8  }
0x74: {  	vm0 =	vgt.s32 v9, $0x0;
	v11 =	vor.u32 v4, v11  }
0x75: {  	_ =	swait.ge [sflag:s18], $0x800;
	v12 =	vadd.s32 s1, v5;
	v9 =	vnsel vm0, $0x0, v9;
	v13 =	vor.u32 $0x1, v11  }
0x76: {  	[sflag:s18] =	ssyncset.done $0x0;
	vm0 =	vgt.s32 v12, $0x0;
	v9 =	vshll.u32 v9, $0x1  }
0x77: {  	[sflag:s18] =	ssyncadd.s32 $0xFFFFF800;
	v12 =	vnsel vm0, $0x0, v12;
	v14 =	vor.u32 $0x1, v9  }
0x78: {  	v12 =	vshll.u32 v12, $0x1;
	v15 =	vld.idx.msk [tilespmem:v8+s2+$0x0], $0xffff  }
0x79: {  	v11 =	vld.idx.msk [tilespmem:v11+s2+$0x0], $0xffff;
	v8 =	vor.u32 $0x1, v8  }
0x7a: {  	v16 =	vor.u32 $0x1, v12;
	v13 =	vld.idx.msk [tilespmem:v13+s2+$0x0], $0xffff  }
0x7b: {  	v17 =	vld.idx.msk [tilespmem:v9+s2+$0x0], $0xffff  }
0x7c: {  	v14 =	vld.idx.msk [tilespmem:v14+s2+$0x0], $0xffff  }
0x7d: {  	s8 =	simm.s32 $0x30;
	v12 =	vld.idx.msk [tilespmem:v12+s2+$0x0], $0xffff  }
0x7e: {  	v18 =	vimm.f32 $0.0e+00;
	v20 =	vadd.s32 s8, v5;
	vm0 =	veq.s32 v10, v1;
	v19 =	vld.idx.msk [tilespmem:v8+s2+$0x0], $0xffff  }
0x7f: {  	s30 =	simm.s32 $0x20;
	v9 =	vmov s8;
	v25 =	vmul.f32 $6.250000000e-02, v15;
	v22 =	vmul.f32 $6.250000000e-02, v11;
	v8 =	vld.idx.msk [tilespmem:v16+s2+$0x0], $0xffff  }
0x80: {  	v16 =	vshll.u32 v9, $0x1;
	v9 =	vmov s30;
	v11 =	vadd.f32 v13, v11  }
0x81: {  	v26 =	vmul.f32 $6.250000000e-02, v13;
	v13 =	vadd.f32 v14, v17;
	v14 =	vadd.s32 s30, v5  }
0x82: {  	v17 =	vor.u32 v4, v16;
	v10 =	vtrunc.f32 v11;
	vm1 =	vgt.s32 v14, $0x0  }
0x83: {  	v11 =	vtrunc.f32 v13;
	v10 =	vcvt.f32.s32 v10;
	v14 =	vnsel vm1, $0x0, v14  }
0x84: {  	v13 =	vadd.f32 v19, v15;
	v11 =	vcvt.f32.s32 v11;
	v8 =	vadd.f32 v8, v12  }
0x85: {  	v12 =	vshll.u32 v9, $0x1;
	v30 =	vmul.f32 $6.250000000e-02, v19;
	v21 =	vshrl.u32 v10, $0x5  }
0x86: {  	v12 =	vor.u32 v4, v12;
	v10 =	vshrl.u32 v10, $0x4;
	v13 =	vtrunc.f32 v13  }
0x87: {  	v11 =	vshrl.u32 v11, $0x5;
	v8 =	vtrunc.f32 v8;
	v23 =	vor.u32 $0x1, v12  }
0x88: {  	vm2 =	vne.s32 v21, v11;
	v11 =	vcvt.f32.s32 v13;
	v8 =	vcvt.f32.s32 v8  }
0x89: {  	v10 =	vand.u32 $0xFFFFF00, v10;
	vm0 =	vmor vm0, vm2;
	vm2 =	vgt.s32 v20, $0x0  }
0x8a: {  	v15 =	vsel vm0, $0x3F800000, v2;
	v13 =	vshrl.u32 v11, $0x5;
	v8 =	vshrl.u32 v8, $0x5  }
0x8b: {  	v15 =	vadd.f32 v15, v18;
	vm1 =	vne.s32 v13, v8;
	v18 =	vshll.u32 v14, $0x1  }
0x8c: {  	v14 =	vnsel vm2, $0x0, v20;
	v20 =	vcvt.s32.f32 v21;
	v24 =	vor.u32 $0x1, v18  }
0x8d: {  	v28 =	vcvt.s32.f32 v13;
	v16 =	vld.idx.msk [tilespmem:v12+s2+$0x0], $0xffff;
	v8 =	vsel vm1, $0x3F800000, v2;
	v27 =	vshll.u32 v14, $0x1  }
0x8e: {  	v12 =	vor.u32 $0x1, v17;
	v8 =	vadd.f32 v8, v15;
	v15 =	vld.idx.msk [tilespmem:v17+s2+$0x0], $0xffff;
	v17 =	vadd.f32 $5.000000000e-01, v20  }
0x8f: {  	v11 =	vshrl.u32 v11, $0x4;
	v14 =	vld.idx.msk [tilespmem:v23+s2+$0x0], $0xffff;
	v29 =	vor.u32 $0x1, v27;
	v28 =	vadd.f32 $5.000000000e-01, v28;
	[tilespmem:v21+s19+$0x0] =	vst.idx.msk vm0, v3  }
0x90: {  	v23 =	vsub.f32 v22, v17;
	v17 =	vsub.f32 v26, v17;
	v20 =	vld.idx.msk [tilespmem:v18+s2+$0x0], $0xffff;
	v18 =	vand.u32 $0x7F, v21  }
0x91: {  	v11 =	vand.u32 $0xFFFFF00, v11;
	[tilespmem:v21+s20+$0x0] =	vst.idx.msk vm0, v6;
	v24 =	vld.idx.msk [tilespmem:v24+s2+$0x0], $0xffff;
	v19 =	vor.u32 v18, v10;
	v10 =	vand.u32 $0x7F, v13  }
0x92: {  	v25 =	vsub.f32 v25, v28;
	[tilespmem:v21+s21+$0x0] =	vst.idx.msk vm0, v7;
	v21 =	vld.idx.msk [tilespmem:v27+s2+$0x0], $0xffff;
	v22 =	vor.u32 v10, v11  }
0x93: {  	[tilespmem:v13+s19+$0x0] =	vst.idx.msk vm1, v3;
	v18 =	vsub.f32 v30, v28;
	v11 =	vld.idx.msk [tilespmem:v12+s2+$0x0], $0xffff;
	v10 =	vmul.f32 $6.250000000e-02, v15  }
0x94: {  	s1 =	simm.s32 $0x2;
	s3 =	simm.s32 $0x50;
	v12 =	vmul.f32 $6.250000000e-02, v16;
	v28 =	vld.idx.msk [tilespmem:v29+s2+$0x0], $0xffff;
	v27 =	vor.u32 $0x80, v19;
	[tilespmem:v13+s20+$0x0] =	vst.idx.msk vm1, v6;
	v26 =	vor.u32 $0x80, v22  }
.LBB2_4:
0x95: {  	v29 =	vmov s3;
	v30 =	vmul.f32 $6.250000000e-02, v14;
	[tilespmem:v13+s21+$0x0] =	vst.idx.msk vm1, v7  }
0x96: {  	s4 =	sadd.s32 $0xFFFFFFF0, s3;
	v13 =	vshll.u32 v29, $0x1;
	v29 =	vadd.s32 s3, v5;
	[tilespmem:v19+s22+$0x0] =	vst.idx.msk vm0, v23  }
0x97: {  	v14 =	vadd.f32 v14, v16;
	v19 =	vmov s4;
	v16 =	vadd.f32 v24, v20;
	[tilespmem:v22+s22+$0x0] =	vst.idx.msk vm1, v25  }
0x98: {  	vm2 =	veq.s32 v9, v1;
	v20 =	vadd.s32 s4, v5;
	v22 =	vor.u32 v4, v13;
	v9 =	vmovc v19  }
0x99: {  	v13 =	vtrunc.f32 v14;
	v14 =	vtrunc.f32 v16;
	v15 =	vadd.f32 v11, v15;
	[tilespmem:v27+s22+$0x0] =	vst.idx.msk vm0, v17  }
0x9a: {  	v17 =	vcvt.f32.s32 v13;
	v13 =	vcvt.f32.s32 v14;
	v14 =	vadd.f32 v28, v21;
	[tilespmem:v26+s22+$0x0] =	vst.idx.msk vm1, v18  }
0x9b: {  	s1 =	sadd.s32 $0x2, s1;
	v16 =	vshll.u32 v9, $0x1;
	vm0 =	vgt.s32 v20, $0x0;
	v15 =	vtrunc.f32 v15  }
0x9c: {  	p0 =	slt.u32 s1, $0x3E;
	v18 =	vshrl.u32 v17, $0x5;
	v13 =	vshrl.u32 v13, $0x5;
	v14 =	vtrunc.f32 v14  }
0x9d: {  	v19 =	vcvt.f32.s32 v15;
	vm1 =	vne.s32 v18, v13;
	v14 =	vcvt.f32.s32 v14  }
0x9e: {  	v16 =	vor.u32 v4, v16;
	v15 =	vnsel vm0, $0x0, v20;
	vm0 =	vmor vm2, vm1  }
0x9f: {  	v13 =	vshrl.u32 v19, $0x5;
	v20 =	vsel vm0, $0x3F800000, v2;
	v14 =	vshrl.u32 v14, $0x5  }
0xa0: {  	v21 =	vor.u32 $0x1, v16;
	v8 =	vadd.f32 v20, v8;
	vm1 =	vne.s32 v13, v14  }
0xa1: {  	vm2 =	vgt.s32 v29, $0x0;
	v20 =	vshll.u32 v15, $0x1;
	v14 =	vsel vm1, $0x3F800000, v2  }
0xa2: {  	v24 =	vnsel vm2, $0x0, v29;
	v23 =	vor.u32 $0x1, v20;
	v8 =	vadd.f32 v14, v8  }
0xa3: {  	v26 =	vcvt.s32.f32 v13;
	v25 =	vshll.u32 v24, $0x1;
	v24 =	vcvt.s32.f32 v18;
	v15 =	vld.idx.msk [tilespmem:v22+s2+$0x0], $0xffff  }
0xa4: {  	v27 =	vor.u32 $0x1, v22;
	v17 =	vshrl.u32 v17, $0x4;
	v22 =	vshrl.u32 v19, $0x4;
	v16 =	vld.idx.msk [tilespmem:v16+s2+$0x0], $0xffff;
	[tilespmem:v18+s19+$0x0] =	vst.idx.msk vm0, v3  }
0xa5: {  	v28 =	vor.u32 $0x1, v25;
	v26 =	vadd.f32 $5.000000000e-01, v26;
	v29 =	vadd.f32 $5.000000000e-01, v24;
	v14 =	vld.idx.msk [tilespmem:v21+s2+$0x0], $0xffff;
	[tilespmem:v18+s20+$0x0] =	vst.idx.msk vm0, v6  }
.Ltmp1:
0xa6: {  	v17 =	vand.u32 $0xFFFFF00, v17;
	v19 =	vand.u32 $0x7F, v18;
	v20 =	vld.idx.msk [tilespmem:v20+s2+$0x0], $0xffff;
	[tilespmem:v18+s21+$0x0] =	vst.idx.msk vm0, v7;
	v18 =	vmul.f32 $6.250000000e-02, v11;
	(pc) =	sbr.rel @p0 .LBB2_4-.Ltmp1, $4  }
0xa7: {  	v19 =	vor.u32 v19, v17;
	v22 =	vand.u32 $0xFFFFF00, v22;
	v11 =	vand.u32 $0x7F, v13;
	v24 =	vld.idx.msk [tilespmem:v23+s2+$0x0], $0xffff;
	[tilespmem:v13+s19+$0x0] =	vst.idx.msk vm1, v3  }
0xa8: {  	v17 =	vsub.f32 v30, v29;
	v23 =	vsub.f32 v12, v29;
	v22 =	vor.u32 v11, v22;
	v21 =	vld.idx.msk [tilespmem:v25+s2+$0x0], $0xffff  }
0xa9: {  	v25 =	vsub.f32 v10, v26;
	v10 =	vmul.f32 $6.250000000e-02, v15;
	v18 =	vsub.f32 v18, v26;
	v11 =	vld.idx.msk [tilespmem:v27+s2+$0x0], $0xffff  }
0xaa: {  	s3 =	sadd.s32 $0x20, s3;
	v26 =	vor.u32 $0x80, v22;
	v12 =	vmul.f32 $6.250000000e-02, v16;
	v27 =	vor.u32 $0x80, v19;
	v28 =	vld.idx.msk [tilespmem:v28+s2+$0x0], $0xffff;
	[tilespmem:v13+s20+$0x0] =	vst.idx.msk vm1, v6  }
0xab: {  	_ = 	snop  }
0xac: {  	v16 =	vadd.f32 v14, v16;
	v20 =	vadd.f32 v24, v20;
	_ =	sdelay $0x1  }
0xad: {  	v16 =	vtrunc.f32 v16;
	v20 =	vtrunc.f32 v20  }
0xae: {  	v16 =	vcvt.f32.s32 v16;
	v20 =	vcvt.f32.s32 v20  }
0xaf: {  	v15 =	vadd.f32 v11, v15;
	v21 =	vadd.f32 v28, v21  }
0xb0: {  	vm2 =	veq.s32 v9, v1;
	v9 =	vshrl.u32 v16, $0x5;
	v20 =	vshrl.u32 v20, $0x5  }
0xb1: {  	v15 =	vtrunc.f32 v15;
	v21 =	vtrunc.f32 v21;
	vm3 =	vne.s32 v9, v20  }
0xb2: {  	v15 =	vcvt.f32.s32 v15;
	v49 =	vcvt.f32.s32 v21;
	vm2 =	vmor vm2, vm3  }
0xb3: {  	[tilespmem:v13+s21+$0x0] =	vst.idx.msk vm1, v7  }
0xb4: {  	[tilespmem:v19+s22+$0x0] =	vst.idx.msk vm0, v23;
	v50 =	vshrl.u32 v15, $0x5;
	v51 =	vshrl.u32 v49, $0x5  }
0xb5: {  	[tilespmem:v27+s22+$0x0] =	vst.idx.msk vm0, v17;
	vm15 =	vne.s32 v50, v51  }
0xb6: {  	[tilespmem:v22+s22+$0x0] =	vst.idx.msk vm1, v25;
	v16 =	vshrl.u32 v16, $0x4  }
0xb7: {  	[tilespmem:v26+s22+$0x0] =	vst.idx.msk vm1, v18;
	v52 =	vcvt.s32.f32 v9;
	v54 =	vand.u32 $0x7F, v9;
	v16 =	vand.u32 $0xFFFFF00, v16  }
0xb8: {  	v16 =	vor.u32 v54, v16;
	[tilespmem:v9+s19+$0x0] =	vst.idx.msk vm2, v3  }
0xb9: {  	v15 =	vshrl.u32 v15, $0x4;
	v17 =	vadd.f32 $5.000000000e-01, v52;
	v57 =	vor.u32 $0x80, v16;
	[tilespmem:v9+s20+$0x0] =	vst.idx.msk vm2, v6  }
0xba: {  	v53 =	vcvt.s32.f32 v50;
	v55 =	vand.u32 $0x7F, v50;
	v15 =	vand.u32 $0xFFFFF00, v15;
	[tilespmem:v9+s21+$0x0] =	vst.idx.msk vm2, v7  }
0xbb: {  	v58 =	vmul.f32 $6.250000000e-02, v14;
	v12 =	vsub.f32 v12, v17;
	v9 =	vor.u32 v55, v15;
	[tilespmem:v50+s19+$0x0] =	vst.idx.msk vm15, v3  }
0xbc: {  	v56 =	vadd.f32 $5.000000000e-01, v53;
	[tilespmem:v50+s20+$0x0] =	vst.idx.msk vm15, v6;
	v19 =	vor.u32 $0x80, v9  }
0xbd: {  	v11 =	vmul.f32 $6.250000000e-02, v11;
	v59 =	vsub.f32 v58, v17;
	[tilespmem:v16+s22+$0x0] =	vst.idx.msk vm2, v12  }
0xbe: {  	v10 =	vsub.f32 v10, v56;
	[tilespmem:v50+s21+$0x0] =	vst.idx.msk vm15, v7  }
0xbf: {  	v11 =	vsub.f32 v11, v56;
	[tilespmem:v57+s22+$0x0] =	vst.idx.msk vm2, v59  }
0xc0: {  	[tilespmem:v9+s22+$0x0] =	vst.idx.msk vm15, v10  }
0xc1: {  	[tilespmem:v19+s22+$0x0] =	vst.idx.msk vm15, v11  }
0xc2: {  	s1 =	rddreg [dreg:$0x8]  }
0xc3: {  	[hbm4b:s1+s15] =	stream.strided.scatter [tilespmem:s20], [sflag:$0x3], $0x2000, s16, s15, $0x38;
	[tilespmem:$0x15080] =	vst v63  }
0xc4: {  	s3 =	rddreg [dreg:$0x9]  }
0xc5: {  	[hbm4b:s3+s2] =	stream.linear.scatter [tilespmem:s22], [sflag:$0x3], $0x4000, $0x38;
	[tilespmem:$0x15080] =	vst v63  }
0xc6: {  	s4 =	rddreg [dreg:$0xa]  }
0xc7: {  	[hbm4b:s4+s15] =	stream.strided.scatter [tilespmem:s19], [sflag:$0x3], $0x2000, s16, s15, $0x38;
	[tilespmem:$0x15080] =	vst v63  }
0xc8: {  	s5 =	rddreg [dreg:$0xb];
	s3 =	simm.s32 $0x3040  }
0xc9: {  	[hbm4b:s5+s15] =	stream.strided.scatter [tilespmem:s21], [sflag:$0x3], $0x2000, s16, s15, $0x38;
	[tilespmem:$0x15080] =	vst v63  }
0xca: {  	[tilespmem:s3+$0x20] =	vst v0  }
0xcb: {  	[tilespmem:s3+$0x30] =	vst v0  }
0xcc: {  	[tilespmem:s3+$0xFFFFFFD0] =	vst v0  }
0xcd: {  	[tilespmem:s3+$0xFFFFFFC0] =	vst v0  }
0xce: {  	[tilespmem:s3+$0xFFFFFFF0] =	vst v0  }
0xcf: {  	[tilespmem:s3+$0x0] =	vst v0  }
0xd0: {  	[tilespmem:s3+$0xFFFFFFE0] =	vst v0  }
0xd1: {  	s1 =	simm.s32 $0xF040;
	[tilespmem:s3+$0x10] =	vst v0  }
0xd2: {  	[tilespmem:s1+$0x20] =	vst v2  }
0xd3: {  	[tilespmem:s1+$0xFFFFFFD0] =	vst v2  }
0xd4: {  	[tilespmem:s1+$0xFFFFFFC0] =	vst v2  }
0xd5: {  	[tilespmem:s1+$0xFFFFFFF0] =	vst v2  }
0xd6: {  	[tilespmem:s1+$0xFFFFFFE0] =	vst v2  }
0xd7: {  	[tilespmem:s1+$0x10] =	vst v2  }
0xd8: {  	[tilespmem:s1+$0x30] =	vst v2  }
0xd9: {  	s6 =	simm.s32 $0x0;
	s3 =	simm.s32 $0x13040;
	[tilespmem:s1+$0x0] =	vst v2  }
0xda: {  	v11 =	vor.u32 s6, v1;
	[tilespmem:s3+$0xFFFFFFE0] =	vst v3  }
0xdb: {  	s7 =	simm.s32 $0x50;
	v11 =	vcvt.s32.f32 v11;
	[tilespmem:s3+$0xFFFFFFF0] =	vst v3  }
0xdc: {  	v60 =	vor.u32 s7, v1;
	[tilespmem:s3+$0xFFFFFFC0] =	vst v3  }
0xdd: {  	v12 =	vcvt.s32.f32 v60;
	v11 =	vadd.f32 $5.000000000e-01, v11;
	[tilespmem:s3+$0xFFFFFFD0] =	vst v3  }
0xde: {  	s6 =	simm.s32 $0x10;
	[tilespmem:s3+$0x20] =	vst v3  }
0xdf: {  	v12 =	vadd.f32 $5.000000000e-01, v12;
	v61 =	vor.u32 s6, v1;
	v11 =	vsub.f32 $0.0e+00, v11;
	s4 =	simm.s32 $0x30;
	[tilespmem:s3+$0x10] =	vst v3  }
0xe0: {  	v13 =	vcvt.s32.f32 v61;
	v9 =	vor.u32 s4, v1;
	s4 =	simm.s32 $0x9080;
	[tilespmem:s3+$0x30] =	vst v3  }
0xe1: {  	s8 =	simm.s32 $0x60;
	v12 =	vsub.f32 $0.0e+00, v12;
	[tilespmem:s4+$0xFFFFFF80] =	vst v11  }
0xe2: {  	v13 =	vadd.f32 $5.000000000e-01, v13;
	v9 =	vcvt.s32.f32 v9;
	[tilespmem:s4+$0x0] =	vst v11;
	v11 =	vor.u32 s8, v1  }
0xe3: {  	s5 =	simm.s32 $0x20;
	[tilespmem:s3+$0x0] =	vst v3;
	v11 =	vcvt.s32.f32 v11  }
0xe4: {  	v13 =	vsub.f32 $0.0e+00, v13;
	v10 =	vor.u32 s5, v1;
	v9 =	vadd.f32 $5.000000000e-01, v9;
	[tilespmem:s4+$0xFFFFFFD0] =	vst v12  }
0xe5: {  	v10 =	vcvt.s32.f32 v10;
	[tilespmem:s4+$0x50] =	vst v12;
	v11 =	vadd.f32 $5.000000000e-01, v11  }
0xe6: {  	s7 =	simm.s32 $0x70;
	v9 =	vsub.f32 $0.0e+00, v9;
	[tilespmem:s4+$0xFFFFFF90] =	vst v13  }
0xe7: {  	v62 =	vor.u32 s7, v1;
	v10 =	vadd.f32 $5.000000000e-01, v10;
	[tilespmem:s4+$0x10] =	vst v13;
	v11 =	vsub.f32 $0.0e+00, v11  }
0xe8: {  	v12 =	vcvt.s32.f32 v62;
	s8 =	simm.s32 $0x40;
	[tilespmem:s4+$0xFFFFFFB0] =	vst v9  }
0xe9: {  	v63 =	vor.u32 s8, v1;
	v10 =	vsub.f32 $0.0e+00, v10;
	[tilespmem:s4+$0xFFFFFFE0] =	vst v11  }
0xea: {  	[tilespmem:s4+$0x60] =	vst v11;
	v11 =	vadd.f32 $5.000000000e-01, v12;
	v12 =	vcvt.s32.f32 v63  }
0xeb: {  	[tilespmem:s4+$0xFFFFFFA0] =	vst v10  }
0xec: {  	[tilespmem:s4+$0x20] =	vst v10;
	v11 =	vsub.f32 $0.0e+00, v11;
	v10 =	vadd.f32 $5.000000000e-01, v12  }
0xed: {  	[tilespmem:s4+$0x30] =	vst v9  }
0xee: {  	v9 =	vsel vm2, $0x3F800000, v2;
	[tilespmem:s4+$0xFFFFFFF0] =	vst v11;
	v10 =	vsub.f32 $0.0e+00, v10  }
0xef: {  	v8 =	vadd.f32 v9, v8;
	[tilespmem:s4+$0x70] =	vst v11  }
0xf0: {  	s30 =	simm.s32 $0x0;
	s6 =	simm.s32 $0x130C0;
	v9 =	vsel vm15, $0x3F800000, v2;
	[tilespmem:s4+$0xFFFFFFC0] =	vst v10  }
0xf1: {  	s5 =	simm.s32 $0x30C0;
	s3 =	simm.s32 $0x9180;
	v8 =	vadd.f32 v9, v8;
	[tilespmem:s4+$0x40] =	vst v10;
	s4 =	simm.s32 $0xF0  }
.LBB2_6:
0xf2: {  	s7 =	sadd.s32 $0xFFFFFF90, s4;
	[tilespmem:s5+$0x20] =	vst v0;
	s30 =	sadd.s32 $0x8, s30;
	s1 =	sadd.s32 $0x80, s1  }
0xf3: {  	v9 =	vor.u32 s7, v1;
	[tilespmem:s5+$0x30] =	vst v0;
	p0 =	slt.u32 s30, $0x1F8;
	s7 =	smov.u32 s3  }
0xf4: {  	s8 =	sadd.s32 $0xFFFFFFA0, s4;
	v9 =	vcvt.s32.f32 v9;
	[tilespmem:s5+$0xFFFFFFD0] =	vst v0  }
0xf5: {  	v10 =	vor.u32 s8, v1;
	[tilespmem:s5+$0xFFFFFFC0] =	vst v0  }
0xf6: {  	s8 =	sadd.s32 $0xFFFFFFB0, s4;
	v10 =	vcvt.s32.f32 v10;
	v9 =	vadd.f32 $5.000000000e-01, v9;
	[tilespmem:s5+$0xFFFFFFF0] =	vst v0  }
0xf7: {  	v11 =	vor.u32 s8, v1;
	[tilespmem:s5+$0x0] =	vst v0  }
0xf8: {  	s8 =	sadd.s32 $0xFFFFFFC0, s4;
	v11 =	vcvt.s32.f32 v11;
	v10 =	vadd.f32 $5.000000000e-01, v10;
	v9 =	vsub.f32 $0.0e+00, v9;
	[tilespmem:s5+$0xFFFFFFE0] =	vst v0  }
0xf9: {  	v12 =	vor.u32 s8, v1;
	[tilespmem:s1+$0x20] =	vst v2  }
0xfa: {  	v12 =	vcvt.s32.f32 v12;
	v11 =	vadd.f32 $5.000000000e-01, v11;
	v10 =	vsub.f32 $0.0e+00, v10;
	[tilespmem:s5+$0x10] =	vst v0  }
0xfb: {  	[tilespmem:s1+$0xFFFFFFD0] =	vst v2  }
0xfc: {  	v12 =	vadd.f32 $5.000000000e-01, v12;
	v11 =	vsub.f32 $0.0e+00, v11;
	[tilespmem:s1+$0xFFFFFFC0] =	vst v2  }
0xfd: {  	[tilespmem:s1+$0xFFFFFFF0] =	vst v2  }
0xfe: {  	v12 =	vsub.f32 $0.0e+00, v12;
	[tilespmem:s1+$0xFFFFFFE0] =	vst v2  }
0xff: {  	[tilespmem:s6+$0xFFFFFFE0] =	vst v3  }
0x100: {  	[tilespmem:s6+$0xFFFFFFF0] =	vst v3  }
0x101: {  	[tilespmem:s3+$0xFFFFFFB0] =	vst v12  }
0x102: {  	s8 =	sadd.s32 $0xFFFFFFE0, s4;
	[tilespmem:s3+$0xFFFFFFA0] =	vst v11  }
0x103: {  	v13 =	vor.u32 s8, v1;
	[tilespmem:s6+$0xFFFFFFC0] =	vst v3  }
0x104: {  	s8 =	sadd.s32 $0xFFFFFFF0, s4;
	v13 =	vcvt.s32.f32 v13;
	[tilespmem:s3+$0xFFFFFF80] =	vst v9  }
0x105: {  	[tilespmem:s3+$0x0] =	vst v9;
	v9 =	vor.u32 s8, v1  }
0x106: {  	v13 =	vadd.f32 $5.000000000e-01, v13;
	[tilespmem:s6+$0xFFFFFFD0] =	vst v3;
	v9 =	vcvt.s32.f32 v9  }
0x107: {  	[tilespmem:s6+$0x20] =	vst v3  }
0x108: {  	v13 =	vsub.f32 $0.0e+00, v13;
	[tilespmem:s1+$0x10] =	vst v2;
	v9 =	vadd.f32 $5.000000000e-01, v9  }
0x109: {  	[tilespmem:s6+$0x10] =	vst v3  }
0x10a: {  	[tilespmem:s3+$0xFFFFFFD0] =	vst v13;
	v9 =	vsub.f32 $0.0e+00, v9  }
0x10b: {  	[tilespmem:s3+$0x50] =	vst v13;
	v13 =	vor.u32 s4, v1  }
0x10c: {  	[tilespmem:s3+$0xFFFFFFE0] =	vst v9;
	v13 =	vcvt.s32.f32 v13  }
0x10d: {  	[tilespmem:s3+$0x60] =	vst v9  }
0x10e: {  	[tilespmem:s3+$0xFFFFFF90] =	vst v10;
	v9 =	vadd.f32 $5.000000000e-01, v13  }
0x10f: {  	[tilespmem:s3+$0x10] =	vst v10  }
0x110: {  	s8 =	sadd.s32 $0xFFFFFFD0, s4;
	[tilespmem:s1+$0x30] =	vst v2;
	v9 =	vsub.f32 $0.0e+00, v9  }
0x111: {  	v10 =	vor.u32 s8, v1;
	[tilespmem:s6+$0x30] =	vst v3  }
0x112: {  	v10 =	vcvt.s32.f32 v10;
	[tilespmem:s3+$0xFFFFFFF0] =	vst v9  }
0x113: {  	[tilespmem:s3+$0x70] =	vst v9  }
0x114: {  	v9 =	vadd.f32 $5.000000000e-01, v10;
	[tilespmem:s3+$0x20] =	vst v11  }
.Ltmp2:
0x115: {  	[tilespmem:s3+$0x30] =	vst v12;
	(pc) =	sbr.rel @p0 .LBB2_6-.Ltmp2, $4  }
0x116: {  	v9 =	vsub.f32 $0.0e+00, v9;
	[tilespmem:s1+$0x0] =	vst v2  }
0x117: {  	[tilespmem:s6+$0x0] =	vst v3  }
0x118: {  	s3 =	sadd.s32 $0x100, s3;
	[tilespmem:s7+$0xFFFFFFC0] =	vst v9  }
0x119: {  	s5 =	sadd.s32 $0x80, s5;
	s4 =	sadd.s32 $0x80, s4;
	s6 =	sadd.s32 $0x80, s6;
	[tilespmem:s7+$0x40] =	vst v9  }
0x11a: {  	s1 =	simm.s32 $0x10  }
0x11b: {  	s3 =	simm.s32 $0x0;
	v9 =	vmov s1  }
0x11c: {  	v10 =	vmov s3;
	v9 =	vshll.u32 v9, $0x1  }
0x11d: {  	v11 =	vadd.s32 s3, v5;
	v12 =	vshll.u32 v10, $0x1;
	v9 =	vor.u32 v4, v9  }
0x11e: {  	vm0 =	vgt.s32 v11, $0x0;
	v12 =	vor.u32 v4, v12  }
0x11f: {  	_ =	swait.ge [sflag:s23], $0x800;
	v13 =	vadd.s32 s1, v5;
	v11 =	vnsel vm0, $0x0, v11;
	v14 =	vor.u32 $0x1, v12  }
0x120: {  	[sflag:s23] =	ssyncset.done $0x0;
	vm0 =	vgt.s32 v13, $0x0;
	v11 =	vshll.u32 v11, $0x1  }
0x121: {  	[sflag:s23] =	ssyncadd.s32 $0xFFFFF800;
	v13 =	vnsel vm0, $0x0, v13;
	v15 =	vor.u32 $0x1, v11  }
0x122: {  	v13 =	vshll.u32 v13, $0x1;
	v16 =	vld.idx.msk [tilespmem:v9+s17+$0x0], $0xffff  }
0x123: {  	v17 =	vor.u32 $0x1, v13;
	v12 =	vld.idx.msk [tilespmem:v12+s17+$0x0], $0xffff  }
0x124: {  	v9 =	vor.u32 $0x1, v9;
	v14 =	vld.idx.msk [tilespmem:v14+s17+$0x0], $0xffff  }
0x125: {  	v11 =	vld.idx.msk [tilespmem:v11+s17+$0x0], $0xffff  }
0x126: {  	v15 =	vld.idx.msk [tilespmem:v15+s17+$0x0], $0xffff  }
0x127: {  	s8 =	simm.s32 $0x30;
	v13 =	vld.idx.msk [tilespmem:v13+s17+$0x0], $0xffff  }
0x128: {  	v20 =	vadd.s32 s8, v5;
	vm0 =	veq.s32 v10, v1;
	v17 =	vld.idx.msk [tilespmem:v17+s17+$0x0], $0xffff  }
0x129: {  	s30 =	simm.s32 $0x20;
	v18 =	vld.idx.msk [tilespmem:v9+s17+$0x0], $0xffff;
	v25 =	vmul.f32 $6.250000000e-02, v16;
	v22 =	vmul.f32 $6.250000000e-02, v12;
	v9 =	vmov s8  }
0x12a: {  	v26 =	vmul.f32 $6.250000000e-02, v14;
	v19 =	vshll.u32 v9, $0x1;
	v9 =	vmov s30  }
0x12b: {  	v12 =	vadd.f32 v14, v12;
	v14 =	vadd.s32 s30, v5;
	v11 =	vadd.f32 v15, v11  }
0x12c: {  	v19 =	vor.u32 v4, v19;
	v15 =	vshll.u32 v9, $0x1;
	vm1 =	vgt.s32 v14, $0x0  }
0x12d: {  	v10 =	vtrunc.f32 v12;
	v13 =	vadd.f32 v17, v13;
	v14 =	vnsel vm1, $0x0, v14  }
0x12e: {  	v28 =	vor.u32 $0x1, v19;
	v11 =	vtrunc.f32 v11;
	v10 =	vcvt.f32.s32 v10  }
0x12f: {  	v12 =	vadd.f32 v18, v16;
	v11 =	vcvt.f32.s32 v11;
	v13 =	vtrunc.f32 v13  }
0x130: {  	v16 =	vor.u32 v4, v15;
	v18 =	vmul.f32 $6.250000000e-02, v18;
	v17 =	vshrl.u32 v10, $0x5  }
0x131: {  	v10 =	vshrl.u32 v10, $0x4;
	v12 =	vtrunc.f32 v12;
	v11 =	vshrl.u32 v11, $0x5  }
0x132: {  	vm2 =	vne.s32 v17, v11;
	v11 =	vcvt.f32.s32 v12;
	v12 =	vcvt.f32.s32 v13  }
0x133: {  	v21 =	vor.u32 $0x1, v16;
	v10 =	vand.u32 $0xFFFFF00, v10;
	vm0 =	vmor vm0, vm2  }
0x134: {  	vm2 =	vgt.s32 v20, $0x0;
	v13 =	vshrl.u32 v11, $0x5;
	v12 =	vshrl.u32 v12, $0x5  }
0x135: {  	v20 =	vnsel vm2, $0x0, v20;
	vm1 =	vne.s32 v13, v12;
	v12 =	vshll.u32 v14, $0x1  }
0x136: {  	v15 =	vsel vm0, $0x3F800000, v2;
	v27 =	vshll.u32 v20, $0x1;
	v24 =	vcvt.s32.f32 v13  }
0x137: {  	v16 =	vld.idx.msk [tilespmem:v16+s17+$0x0], $0xffff;
	v8 =	vadd.f32 v15, v8;
	v20 =	vcvt.s32.f32 v17;
	v23 =	vor.u32 $0x1, v12  }
0x138: {  	v11 =	vshrl.u32 v11, $0x4;
	v15 =	vld.idx.msk [tilespmem:v19+s17+$0x0], $0xffff;
	v14 =	vsel vm1, $0x3F800000, v2;
	v31 =	vadd.f32 $5.000000000e-01, v24  }
0x139: {  	v29 =	vor.u32 $0x1, v27;
	v8 =	vadd.f32 v14, v8;
	v14 =	vld.idx.msk [tilespmem:v21+s17+$0x0], $0xffff;
	v30 =	vadd.f32 $5.000000000e-01, v20;
	[tilespmem:v17+s24+$0x0] =	vst.idx.msk vm0, v3  }
0x13a: {  	v25 =	vsub.f32 v25, v31;
	v18 =	vsub.f32 v18, v31;
	v20 =	vld.idx.msk [tilespmem:v12+s17+$0x0], $0xffff;
	v12 =	vand.u32 $0x7F, v17  }
0x13b: {  	v11 =	vand.u32 $0xFFFFF00, v11;
	[tilespmem:v17+s25+$0x0] =	vst.idx.msk vm0, v6;
	v21 =	vld.idx.msk [tilespmem:v27+s17+$0x0], $0xffff;
	v19 =	vor.u32 v12, v10;
	v10 =	vand.u32 $0x7F, v13  }
0x13c: {  	[tilespmem:v17+s26+$0x0] =	vst.idx.msk vm0, v7;
	v24 =	vld.idx.msk [tilespmem:v23+s17+$0x0], $0xffff;
	v23 =	vsub.f32 v22, v30;
	v22 =	vor.u32 v10, v11  }
0x13d: {  	[tilespmem:v13+s24+$0x0] =	vst.idx.msk vm1, v3;
	v17 =	vsub.f32 v26, v30;
	v12 =	vmul.f32 $6.250000000e-02, v16;
	v11 =	vld.idx.msk [tilespmem:v28+s17+$0x0], $0xffff  }
0x13e: {  	s1 =	simm.s32 $0x2;
	s3 =	simm.s32 $0x50;
	v10 =	vmul.f32 $6.250000000e-02, v15;
	v28 =	vld.idx.msk [tilespmem:v29+s17+$0x0], $0xffff;
	v27 =	vor.u32 $0x80, v19;
	[tilespmem:v13+s25+$0x0] =	vst.idx.msk vm1, v6;
	v26 =	vor.u32 $0x80, v22  }
.LBB2_8:
0x13f: {  	v29 =	vmov s3;
	v30 =	vmul.f32 $6.250000000e-02, v14;
	[tilespmem:v13+s26+$0x0] =	vst.idx.msk vm1, v7  }
0x140: {  	s4 =	sadd.s32 $0xFFFFFFF0, s3;
	v13 =	vshll.u32 v29, $0x1;
	v29 =	vadd.s32 s3, v5;
	[tilespmem:v19+s28+$0x0] =	vst.idx.msk vm0, v23  }
0x141: {  	v14 =	vadd.f32 v14, v16;
	v19 =	vmov s4;
	v16 =	vadd.f32 v24, v20;
	[tilespmem:v22+s28+$0x0] =	vst.idx.msk vm1, v25  }
0x142: {  	vm2 =	veq.s32 v9, v1;
	v20 =	vadd.s32 s4, v5;
	v22 =	vor.u32 v4, v13;
	v9 =	vmovc v19  }
0x143: {  	v13 =	vtrunc.f32 v14;
	v14 =	vtrunc.f32 v16;
	v15 =	vadd.f32 v11, v15;
	[tilespmem:v27+s28+$0x0] =	vst.idx.msk vm0, v17  }
0x144: {  	v17 =	vcvt.f32.s32 v13;
	v13 =	vcvt.f32.s32 v14;
	v14 =	vadd.f32 v28, v21;
	[tilespmem:v26+s28+$0x0] =	vst.idx.msk vm1, v18  }
0x145: {  	s1 =	sadd.s32 $0x2, s1;
	v16 =	vshll.u32 v9, $0x1;
	vm0 =	vgt.s32 v20, $0x0;
	v15 =	vtrunc.f32 v15  }
0x146: {  	p0 =	slt.u32 s1, $0x3E;
	v18 =	vshrl.u32 v17, $0x5;
	v13 =	vshrl.u32 v13, $0x5;
	v14 =	vtrunc.f32 v14  }
0x147: {  	v19 =	vcvt.f32.s32 v15;
	vm1 =	vne.s32 v18, v13;
	v14 =	vcvt.f32.s32 v14  }
0x148: {  	v16 =	vor.u32 v4, v16;
	v15 =	vnsel vm0, $0x0, v20;
	vm0 =	vmor vm2, vm1  }
0x149: {  	v13 =	vshrl.u32 v19, $0x5;
	v20 =	vsel vm0, $0x3F800000, v2;
	v14 =	vshrl.u32 v14, $0x5  }
0x14a: {  	v21 =	vor.u32 $0x1, v16;
	v8 =	vadd.f32 v20, v8;
	vm1 =	vne.s32 v13, v14  }
0x14b: {  	vm2 =	vgt.s32 v29, $0x0;
	v20 =	vshll.u32 v15, $0x1;
	v14 =	vsel vm1, $0x3F800000, v2  }
0x14c: {  	v24 =	vnsel vm2, $0x0, v29;
	v23 =	vor.u32 $0x1, v20;
	v8 =	vadd.f32 v14, v8  }
0x14d: {  	v26 =	vcvt.s32.f32 v13;
	v25 =	vshll.u32 v24, $0x1;
	v24 =	vcvt.s32.f32 v18;
	v15 =	vld.idx.msk [tilespmem:v22+s17+$0x0], $0xffff  }
0x14e: {  	v27 =	vor.u32 $0x1, v22;
	v17 =	vshrl.u32 v17, $0x4;
	v22 =	vshrl.u32 v19, $0x4;
	v16 =	vld.idx.msk [tilespmem:v16+s17+$0x0], $0xffff;
	[tilespmem:v18+s24+$0x0] =	vst.idx.msk vm0, v3  }
0x14f: {  	v28 =	vor.u32 $0x1, v25;
	v26 =	vadd.f32 $5.000000000e-01, v26;
	v29 =	vadd.f32 $5.000000000e-01, v24;
	v14 =	vld.idx.msk [tilespmem:v21+s17+$0x0], $0xffff;
	[tilespmem:v18+s25+$0x0] =	vst.idx.msk vm0, v6  }
.Ltmp3:
0x150: {  	v17 =	vand.u32 $0xFFFFF00, v17;
	v19 =	vand.u32 $0x7F, v18;
	v20 =	vld.idx.msk [tilespmem:v20+s17+$0x0], $0xffff;
	[tilespmem:v18+s26+$0x0] =	vst.idx.msk vm0, v7;
	v18 =	vmul.f32 $6.250000000e-02, v11;
	(pc) =	sbr.rel @p0 .LBB2_8-.Ltmp3, $4  }
0x151: {  	v19 =	vor.u32 v19, v17;
	v22 =	vand.u32 $0xFFFFF00, v22;
	v11 =	vand.u32 $0x7F, v13;
	v24 =	vld.idx.msk [tilespmem:v23+s17+$0x0], $0xffff;
	[tilespmem:v13+s24+$0x0] =	vst.idx.msk vm1, v3  }
0x152: {  	v17 =	vsub.f32 v30, v29;
	v23 =	vsub.f32 v12, v29;
	v22 =	vor.u32 v11, v22;
	v21 =	vld.idx.msk [tilespmem:v25+s17+$0x0], $0xffff  }
0x153: {  	v25 =	vsub.f32 v10, v26;
	v10 =	vmul.f32 $6.250000000e-02, v15;
	v18 =	vsub.f32 v18, v26;
	v11 =	vld.idx.msk [tilespmem:v27+s17+$0x0], $0xffff  }
0x154: {  	s3 =	sadd.s32 $0x20, s3;
	v26 =	vor.u32 $0x80, v22;
	v12 =	vmul.f32 $6.250000000e-02, v16;
	v27 =	vor.u32 $0x80, v19;
	v28 =	vld.idx.msk [tilespmem:v28+s17+$0x0], $0xffff;
	[tilespmem:v13+s25+$0x0] =	vst.idx.msk vm1, v6  }
0x155: {  	_ = 	snop  }
0x156: {  	v16 =	vadd.f32 v14, v16;
	v20 =	vadd.f32 v24, v20;
	_ =	sdelay $0x1  }
0x157: {  	v16 =	vtrunc.f32 v16;
	v20 =	vtrunc.f32 v20  }
0x158: {  	v16 =	vcvt.f32.s32 v16;
	v20 =	vcvt.f32.s32 v20  }
0x159: {  	v15 =	vadd.f32 v11, v15;
	v21 =	vadd.f32 v28, v21  }
0x15a: {  	vm2 =	veq.s32 v9, v1;
	v48 =	vshrl.u32 v16, $0x5;
	v20 =	vshrl.u32 v20, $0x5  }
0x15b: {  	v15 =	vtrunc.f32 v15;
	v21 =	vtrunc.f32 v21;
	vm3 =	vne.s32 v48, v20  }
0x15c: {  	v15 =	vcvt.f32.s32 v15;
	v49 =	vcvt.f32.s32 v21;
	vm2 =	vmor vm2, vm3  }
0x15d: {  	[tilespmem:v13+s26+$0x0] =	vst.idx.msk vm1, v7  }
0x15e: {  	[tilespmem:v19+s28+$0x0] =	vst.idx.msk vm0, v23;
	v50 =	vshrl.u32 v15, $0x5;
	v51 =	vshrl.u32 v49, $0x5  }
0x15f: {  	[tilespmem:v27+s28+$0x0] =	vst.idx.msk vm0, v17;
	vm15 =	vne.s32 v50, v51  }
0x160: {  	[tilespmem:v22+s28+$0x0] =	vst.idx.msk vm1, v25;
	v16 =	vshrl.u32 v16, $0x4  }
0x161: {  	[tilespmem:v26+s28+$0x0] =	vst.idx.msk vm1, v18;
	v52 =	vcvt.s32.f32 v48;
	v54 =	vand.u32 $0x7F, v48;
	v16 =	vand.u32 $0xFFFFF00, v16  }
0x162: {  	v16 =	vor.u32 v54, v16;
	[tilespmem:v48+s24+$0x0] =	vst.idx.msk vm2, v3  }
0x163: {  	v15 =	vshrl.u32 v15, $0x4;
	v17 =	vadd.f32 $5.000000000e-01, v52;
	v58 =	vor.u32 $0x80, v16;
	[tilespmem:v48+s25+$0x0] =	vst.idx.msk vm2, v6  }
0x164: {  	v53 =	vcvt.s32.f32 v50;
	v55 =	vand.u32 $0x7F, v50;
	v15 =	vand.u32 $0xFFFFF00, v15;
	[tilespmem:v48+s26+$0x0] =	vst.idx.msk vm2, v7  }
0x165: {  	v59 =	vmul.f32 $6.250000000e-02, v14;
	v56 =	vor.u32 v55, v15;
	v12 =	vsub.f32 v12, v17;
	[tilespmem:v50+s24+$0x0] =	vst.idx.msk vm15, v3  }
0x166: {  	v57 =	vadd.f32 $5.000000000e-01, v53;
	v19 =	vor.u32 $0x80, v56;
	[tilespmem:v50+s25+$0x0] =	vst.idx.msk vm15, v6  }
0x167: {  	v60 =	vmul.f32 $6.250000000e-02, v11;
	v61 =	vsub.f32 v59, v17;
	[tilespmem:v16+s28+$0x0] =	vst.idx.msk vm2, v12  }
0x168: {  	v10 =	vsub.f32 v10, v57;
	[tilespmem:v50+s26+$0x0] =	vst.idx.msk vm15, v7  }
0x169: {  	v11 =	vsub.f32 v60, v57;
	[tilespmem:v58+s28+$0x0] =	vst.idx.msk vm2, v61  }
0x16a: {  	[tilespmem:v56+s28+$0x0] =	vst.idx.msk vm15, v10  }
0x16b: {  	[tilespmem:v19+s28+$0x0] =	vst.idx.msk vm15, v11  }
0x16c: {  	[hbm4b:s9+s15] =	stream.strided.scatter [tilespmem:s25], [sflag:$0x3], $0x2000, s16, s15, $0x38;
	[tilespmem:$0x15080] =	vst v63  }
0x16d: {  	_ = 	snop  }
0x16e: {  	v62 =	vsel vm2, $0x3F800000, v2;
	[hbm4b:s10+s2] =	stream.linear.scatter [tilespmem:s28], [sflag:$0x3], $0x4000, $0x38;
	[tilespmem:$0x15080] =	vst v63  }
0x16f: {  	v8 =	vadd.f32 v62, v8  }
0x170: {  	v63 =	vsel vm15, $0x3F800000, v2;
	[hbm4b:s11+s15] =	stream.strided.scatter [tilespmem:s24], [sflag:$0x3], $0x2000, s16, s15, $0x38;
	[tilespmem:$0x15080] =	vst v63  }
0x171: {  	v8 =	vadd.f32 v63, v8  }
0x172: {  	[hbm4b:s12+s15] =	stream.strided.scatter [tilespmem:s26], [sflag:$0x3], $0x2000, s16, s15, $0x38;
	[tilespmem:$0x15080] =	vst v63  }
0x173: {  	[tilespmem:$0x15000] =	vst v8  }
0x174: {  	_ =	swait.ge [sflag:s29], $0x2000  }
0x175: {  	[sflag:s29] =	ssyncset.done $0x0  }
0x176: {  	[sflag:s29] =	ssyncadd.s32 $0xFFFFE000  }
0x177: {  	_ =	swait.ge [sflag:s29], $0x4000  }
0x178: {  	[sflag:s29] =	ssyncset.done $0x0  }
0x179: {  	[sflag:s29] =	ssyncadd.s32 $0xFFFFC000  }
0x17a: {  	_ =	swait.ge [sflag:s29], $0x2000  }
0x17b: {  	[sflag:s29] =	ssyncset.done $0x0  }
0x17c: {  	[sflag:s29] =	ssyncadd.s32 $0xFFFFE000  }
0x17d: {  	_ =	swait.ge [sflag:s29], $0x2000  }
0x17e: {  	[sflag:s29] =	ssyncset.done $0x0  }
0x17f: {  	[sflag:s29] =	ssyncadd.s32 $0xFFFFE000  }
0x180: {  	_ =	swait.ge [sflag:s29], $0x2000  }
0x181: {  	[sflag:s29] =	ssyncset.done $0x0  }
0x182: {  	[sflag:s29] =	ssyncadd.s32 $0xFFFFE000  }
0x183: {  	_ =	swait.ge [sflag:s29], $0x4000  }
0x184: {  	[sflag:s29] =	ssyncset.done $0x0  }
0x185: {  	[sflag:s29] =	ssyncadd.s32 $0xFFFFC000  }
0x186: {  	_ =	swait.ge [sflag:s29], $0x2000  }
0x187: {  	[sflag:s29] =	ssyncset.done $0x0  }
0x188: {  	[sflag:s29] =	ssyncadd.s32 $0xFFFFE000  }
0x189: {  	s0 =	sadd.s32 $0x1, s0;
	_ =	swait.ge [sflag:s29], $0x2000  }
0x18a: {  	p0 =	sne.s32 s0, s14;
	[sflag:s29] =	ssyncset.done $0x0  }
.Ltmp4:
0x18b: {  	s1 =	simm.s32 $0x15000;
	[sflag:s29] =	ssyncadd.s32 $0xFFFFE000;
	(pc) =	sbr.rel @p0 .LBB2_1-.Ltmp4, $4  }
0x18c: {  	[hbm4b:s13+s2] =	stream.linear.scatter [tilespmem:s1], [sflag:$0x4], $0x80, $0x38;
	[tilespmem:$0x15080] =	vst v63  }
0x18d: {  	_ =	swait.ge [sflag:s31], $0x80  }
0x18e: {  	[sflag:s31] =	ssyncset.done $0x0  }
0x18f: {  	[sflag:s31] =	ssyncadd.s32 $0xFFFFFF80  }
0x190: {  	_ =	sfence.sel $0x180000  }
0x191: {  	[bflag:$0x0] =	sbarrier.arrive $0xFFFF  }
0x192: {  	_ =	strace $0x90000047  }
0x193: {  	s0 =	stileid.u32;
	[bflag:$0x2] =	sbarrier.arrive $0xFFFF  }
0x194: {  	p0 =	sne.s32 s0, $0x0;
	s0 =	rddreg [dreg:$0x5]  }
0x195: {  	s0 =	sadd.s32 @!p0 $0x100000, s0  }
0x196: {  	[sflag:s0] =	ssyncadd.tile.s32 @!p0 $0x1;
	_ =	shalt  }
.Lfunc_end2:
_tile_overlayer_lowered:
.L_overlay_start_2:
0x197: {  	(tag) =	ssettag $0x2  }
0x198: {  	s0 =	rddreg [dreg:$0x0];
	s2 =	stileid.u32  }
0x199: {  	s1 =	rddreg [dreg:$0x1];
	p0 =	sne.s32 s2, $0x0  }
0x19a: {  	s3 =	rddreg [dreg:$0x2];
	[bflag:$0x3] =	sbarrier.arrive $0xFFFF;
	s2 =	simm.s32 @!p0 $0x1C04  }
0x19b: {  	[timem:s3], [sflag:s2] =	dma.local @!p0 [hbm:s0], s1  }
0x19c: {  	s0 =	simm.s32 @!p0 $0x4  }
0x19d: {  	_ =	swait.ge @!p0 [sflag:s0], s1  }
0x19e: {  	s1 =	ssub.s32 @!p0 $0x0, s1;
	[sflag:s0] =	ssyncset.done @!p0 $0x0  }
0x19f: {  	[sflag:s0] =	ssyncadd.s32 @!p0 s1  }
0x1a0: {  	[bflag:$0x3] =	sbarrier.arrive $0xFFFF  }
0x1a1: {  	_ =	shalt  }

</sc_bundles>
